<compile_context>
chip_gen: v7x
topology: tpu7x:2x2x1
jax: 0.10.2.dev20260603
libtpu: 0.0.44.dev20260713+nightly
codegen_flags: <defaults>
</compile_context>

<pallas_src>
import functools

import jax
import jax.numpy as jnp
from jax import lax
from jax.experimental import pallas as pl
from jax.experimental.pallas import tpu as pltpu
from jax.experimental.pallas import tpu_sc as plsc

N_NODES = 10000
DIM = 128
N_CLS = 64
N_EDGES = 320000

N_PAD = 10240
HALF = 5120
SROWS = 5216
DUMMY = HALF
CHUNK = 64
N_SUBCORES = 16
CH_PER_T = 316
E_PER_T = CH_PER_T * CHUNK
E_PAD = E_PER_T * N_SUBCORES
ROWS_PER_TILE = HALF // N_SUBCORES
ZTILE = SROWS // N_SUBCORES
ZROWS = 41

_PERM = tuple(32 * c + (p % 2) * 16 + p // 2
              for c in range(DIM // 32) for p in range(32))


def _sc_body(hA, hB, srcp, dstp, out, out_cnt, sidx, didx, scidx,
             bufA, bufB, msg, zbuf, cnt, shared, sems, isem, ssem):
    cid = lax.axis_index("c")
    sid = lax.axis_index("s")
    zero16 = jnp.zeros((16,), jnp.float32)
    ones16 = jnp.ones((16,), jnp.float32)
    half16 = jnp.full((16,), HALF, jnp.int32)
    dummy16 = jnp.full((16,), DUMMY, jnp.int32)
    base16 = jnp.full((16,), 0, jnp.int32) + cid * HALF

    def zb(i, c):
        zbuf[i // 8, pl.ds((i % 8) * 16, 16)] = zero16
        return c
    lax.fori_loop(0, ZROWS * 8, zb, 0)

    def zc(i, c):
        cnt[pl.ds(i * 16, 16)] = zero16
        return c
    lax.fori_loop(0, N_PAD // 16, zc, 0)

    def zs(j, c):
        pltpu.sync_copy(zbuf, shared.at[pl.ds(sid * ZTILE + j * ZROWS, ZROWS)])
        return c
    lax.fori_loop(0, ZTILE // ZROWS, zs, 0)
    ztail = ZTILE - (ZTILE // ZROWS) * ZROWS
    if ztail:
        pltpu.sync_copy(zbuf.at[pl.ds(0, ztail)],
                        shared.at[pl.ds(sid * ZTILE + ZTILE - ztail, ztail)])
    plsc.subcore_barrier()

    ebase = sid * E_PER_T

    pltpu.async_copy(srcp.at[pl.ds(ebase, CHUNK)], sidx.at[0], isem.at[0, 0])
    pltpu.async_copy(dstp.at[pl.ds(ebase, CHUNK)], didx.at[0], isem.at[1, 0])

    def body(t, c):
        @pl.when(t < CH_PER_T)
        def _():
            slot = t % 3
            islot = t % 4
            base = ebase + t * CHUNK
            pltpu.make_async_copy(srcp.at[pl.ds(base, CHUNK)], sidx.at[islot],
                                  isem.at[0, islot]).wait()
            pltpu.make_async_copy(dstp.at[pl.ds(base, CHUNK)], didx.at[islot],
                                  isem.at[1, islot]).wait()
            pltpu.async_copy(hA.at[didx.at[islot]], bufA.at[slot],
                             sems.at[0, slot])
            pltpu.async_copy(hB.at[sidx.at[islot]], bufB.at[slot],
                             sems.at[1, slot])

            @pl.when(t + 1 < CH_PER_T)
            def _():
                nxt = (t + 1) % 4
                nbase = ebase + (t + 1) * CHUNK
                pltpu.async_copy(srcp.at[pl.ds(nbase, CHUNK)], sidx.at[nxt],
                                 isem.at[0, nxt])
                pltpu.async_copy(dstp.at[pl.ds(nbase, CHUNK)], didx.at[nxt],
                                 isem.at[1, nxt])

        @pl.when(t >= 2)
        def _():
            slot = (t - 2) % 3
            islot = (t - 2) % 4
            ms = (t - 2) % 2

            @pl.when(t >= 4)
            def _():
                pltpu.make_async_copy(msg.at[ms], shared.at[scidx.at[ms]],
                                      ssem.at[ms]).wait()

            @plsc.parallel_loop(0, CHUNK // 16, 1, unroll=2)
            def clamp(k):
                v = didx[islot, pl.ds(k * 16, 16)] - base16
                ok = (v >= 0) & (v < half16)
                scidx[ms, pl.ds(k * 16, 16)] = jnp.where(ok, v, dummy16)

            @pl.when(cid == 0)
            def _():
                def hist(k, cc):
                    idx16 = didx[islot, pl.ds(k * 16, 16)]
                    plsc.addupdate_scatter(cnt, [idx16], ones16)
                    return cc
                lax.fori_loop(0, CHUNK // 16, hist, 0)

            pltpu.make_async_copy(hA.at[didx.at[islot]], bufA.at[slot],
                                  sems.at[0, slot]).wait()
            pltpu.make_async_copy(hB.at[sidx.at[islot]], bufB.at[slot],
                                  sems.at[1, slot]).wait()

            @plsc.parallel_loop(0, CHUNK, 1, unroll=4)
            def comp(r):
                for c8 in range(DIM // 16):
                    col = c8 * 16
                    v = (bufA[slot, r, pl.ds(col, 16)]
                         + bufB[slot, r, pl.ds(col, 16)])
                    msg[ms, r, pl.ds(col, 16)] = jnp.maximum(v, 0.0)

            pltpu.async_copy(msg.at[ms], shared.at[scidx.at[ms]], ssem.at[ms],
                             add=True)
        return c
    lax.fori_loop(0, CH_PER_T + 2, body, 0)

    def drain(j, c):
        sl = (CH_PER_T + j) % 2
        pltpu.make_async_copy(msg.at[sl], shared.at[scidx.at[sl]],
                              ssem.at[sl]).wait()
        return c
    lax.fori_loop(0, 2, drain, 0)

    plsc.subcore_barrier()
    pltpu.sync_copy(shared.at[pl.ds(sid * ROWS_PER_TILE, ROWS_PER_TILE)],
                    out.at[cid, pl.ds(sid * ROWS_PER_TILE, ROWS_PER_TILE)])
    pltpu.sync_copy(cnt, out_cnt.at[sid])


@functools.lru_cache(maxsize=1)
def _build_sc_scatter():
    return pl.kernel(
        _sc_body,
        out_type=(
            jax.ShapeDtypeStruct((2, HALF, DIM), jnp.float32),
            jax.ShapeDtypeStruct((N_SUBCORES, N_PAD), jnp.float32),
        ),
        mesh=plsc.VectorSubcoreMesh(core_axis_name="c", subcore_axis_name="s"),
        compiler_params=pltpu.CompilerParams(needs_layout_passes=False),
        scratch_types=[
            pltpu.VMEM((4, CHUNK), jnp.int32),
            pltpu.VMEM((4, CHUNK), jnp.int32),
            pltpu.VMEM((2, CHUNK), jnp.int32),
            pltpu.VMEM((3, CHUNK, DIM), jnp.float32),
            pltpu.VMEM((3, CHUNK, DIM), jnp.float32),
            pltpu.VMEM((2, CHUNK, DIM), jnp.float32),
            pltpu.VMEM((ZROWS, DIM), jnp.float32),
            pltpu.VMEM((N_PAD,), jnp.float32),
            pltpu.VMEM_SHARED((SROWS, DIM), jnp.float32),
            pltpu.SemaphoreType.DMA((2, 3)),
            pltpu.SemaphoreType.DMA((2, 4)),
            pltpu.SemaphoreType.DMA((2,)),
        ],
    )


def _sc_scatter(hAp, hBp, srcp, dstp):
    return _build_sc_scatter()(hAp, hBp, srcp, dstp)


def _dot(a, b):
    return lax.dot_general(a, b, (((1,), (0,)), ((), ())),
                           preferred_element_type=jnp.float32)


def _pre_body(x, W1a, b1a, W1b, b1b, W2d, W2s, b2a, h_o, hA_o, hB_o):
    t = jnp.maximum(_dot(x[...], W1a[...]) + b1a[...], 0.0)
    h = _dot(t, W1b[...]) + b1b[...]
    h_o[...] = h
    hA_o[...] = _dot(h, W2d[...]) + b2a[...]
    hB_o[...] = _dot(h, W2s[...])


_PRE_BLK = 2048


def _full(shape):
    return pl.BlockSpec(shape, lambda i: (0,) * len(shape))


_pre_call = pl.pallas_call(
    _pre_body,
    grid=(N_PAD // _PRE_BLK,),
    in_specs=[
        pl.BlockSpec((_PRE_BLK, DIM), lambda i: (i, 0)),
        _full((DIM, DIM)), _full((1, DIM)),
        _full((DIM, DIM)), _full((1, DIM)),
        _full((DIM, DIM)), _full((DIM, DIM)), _full((1, DIM)),
    ],
    out_specs=[
        pl.BlockSpec((_PRE_BLK, DIM), lambda i: (i, 0)),
        pl.BlockSpec((_PRE_BLK, DIM), lambda i: (i, 0)),
        pl.BlockSpec((_PRE_BLK, DIM), lambda i: (i, 0)),
    ],
    out_shape=[jax.ShapeDtypeStruct((N_PAD, DIM), jnp.float32)] * 3,
)


def _post_body(S, cntT, hA, hB, h, W2b, b2b, Wc, bc, out):
    M = S[...] + jnp.maximum(hA[...] + hB[...], 0.0)
    deg = jnp.sum(cntT[...], axis=1, keepdims=True) + 1.0
    agg = _dot(M, W2b[...]) + deg * b2b[...]
    o = (agg + h[...]) * 0.5
    out[...] = _dot(o, Wc[...]) + bc[...]


_POST_BLK = 2000

_post_call = pl.pallas_call(
    _post_body,
    grid=(N_NODES // _POST_BLK,),
    in_specs=[
        pl.BlockSpec((_POST_BLK, DIM), lambda i: (i, 0)),
        pl.BlockSpec((_POST_BLK, N_SUBCORES), lambda i: (i, 0)),
        pl.BlockSpec((_POST_BLK, DIM), lambda i: (i, 0)),
        pl.BlockSpec((_POST_BLK, DIM), lambda i: (i, 0)),
        pl.BlockSpec((_POST_BLK, DIM), lambda i: (i, 0)),
        _full((DIM, DIM)), _full((1, DIM)),
        _full((DIM, N_CLS)), _full((1, N_CLS)),
    ],
    out_specs=pl.BlockSpec((_POST_BLK, N_CLS), lambda i: (i, 0)),
    out_shape=jax.ShapeDtypeStruct((N_NODES, N_CLS), jnp.float32),
)


def kernel(x, edge_index, W1a, b1a, W1b, b1b, W2a, b2a, W2b, b2b, Wc, bc):
    f32 = jnp.float32
    x_pad = jnp.zeros((N_PAD, DIM), f32).at[:N_NODES].set(x)
    W2d = W2a[:DIM] - W2a[DIM:]
    W2s = W2a[DIM:]
    h, hA, hB = _pre_call(
        x_pad, W1a, b1a.reshape(1, DIM), W1b, b1b.reshape(1, DIM),
        W2d, W2s, b2a.reshape(1, DIM))

    pad = jnp.full((E_PAD - N_EDGES,), N_NODES, jnp.int32)
    srcp = jnp.concatenate([edge_index[0], pad])
    dstp = jnp.concatenate([edge_index[1], pad])
    halves, counts = _sc_scatter(hA, hB, srcp, dstp)
    S = halves.reshape(2 * HALF, DIM)[:N_NODES]
    cntT = counts[:, :N_NODES].T

    return _post_call(
        S, cntT, hA[:N_NODES], hB[:N_NODES], h[:N_NODES],
        W2b, b2b.reshape(1, DIM), Wc, bc.reshape(1, N_CLS))

# --- scband reference (transcript-rebuilt; emitter-appended) ---
"""Pipeline reference for scband-network-86947317940878 (READ-ONLY COPY).

The authoritative reference and input builder live on the scoring server;
editing this copy changes nothing except your own understanding.
"""

import jax, jax.numpy as jnp
import numpy as np

N = 10000
E = 320000
D = 128
C = 64


def setup_inputs(seed: int = 0) -> dict:
    key = jax.random.key(seed)
    ks = jax.random.split(key, 12)
    x = jax.random.normal(ks[0], (N, D), dtype=jnp.float32)
    edge_index = jax.random.randint(ks[1], (2, E), 0, N, dtype=jnp.int32)
    s = 0.05
    W1a = jax.random.normal(ks[2], (D, D), dtype=jnp.float32) * s
    b1a = jnp.zeros((D,), dtype=jnp.float32)
    W1b = jax.random.normal(ks[3], (D, D), dtype=jnp.float32) * s
    b1b = jnp.zeros((D,), dtype=jnp.float32)
    W2a = jax.random.normal(ks[4], (2 * D, D), dtype=jnp.float32) * s
    b2a = jnp.zeros((D,), dtype=jnp.float32)
    W2b = jax.random.normal(ks[5], (D, D), dtype=jnp.float32) * s
    b2b = jnp.zeros((D,), dtype=jnp.float32)
    Wc = jax.random.normal(ks[6], (D, C), dtype=jnp.float32) * s
    bc = jnp.zeros((C,), dtype=jnp.float32)
    return {"x": x, "edge_index": edge_index, "W1a": W1a, "b1a": b1a, "W1b": W1b, "b1b": b1b, "W2a": W2a, "b2a": b2a, "W2b": W2b, "b2b": b2b, "Wc": Wc, "bc": bc}


def reference(x, edge_index, W1a, b1a, W1b, b1b, W2a, b2a, W2b, b2b, Wc, bc):
    n = x.shape[0]
    # add_self_loops
    loops = jnp.arange(n, dtype=edge_index.dtype)
    ei = jnp.concatenate([edge_index, jnp.stack([loops, loops], axis=0)], axis=1)
    # mlp1
    h = x @ W1a + b1a
    h = jax.nn.relu(h)
    h = h @ W1b + b1b
    # message: x_j = h[src], x_i = h[dst] (PyG flow source_to_target)
    src = ei[0]
    dst = ei[1]
    x_i = h[dst]
    x_j = h[src]
    m = jnp.concatenate([x_i, x_j - x_i], axis=1)
    m = m @ W2a + b2a
    m = jax.nn.relu(m)
    m = m @ W2b + b2b
    # aggregate: sum by destination node
    agg = jax.ops.segment_sum(m, dst, num_segments=n)
    # update: (inputs + x) / 2
    out = (agg + h) / 2.0
    # classifier
    return out @ Wc + bc

if __name__ == "__main__":
    import jax
    _d = setup_inputs()
    print(jax.jit(kernel)(*tuple(_d.values())))

</pallas_src>

<mosaic_0001>
#map = affine_map<(d0, d1) -> (0, 0)>
#map1 = affine_map<(d0, d1) -> (0)>
#map2 = affine_map<(d0, d1) -> (0, 0, 0)>
module attributes {stable_mosaic.version = 14 : i64} {
  func.func @_sc_body(%arg0: i32, %arg1: i32, %arg2: memref<10240x128xf32, #tpu.memory_space<hbm>>, %arg3: memref<10240x128xf32, #tpu.memory_space<hbm>>, %arg4: memref<323584xi32, #tpu.memory_space<hbm>>, %arg5: memref<323584xi32, #tpu.memory_space<hbm>>, %arg6: memref<2x5120x128xf32, #tpu.memory_space<hbm>>, %arg7: memref<16x10240xf32, #tpu.memory_space<hbm>>, %arg8: memref<4x64xi32, #tpu.memory_space<vmem>>, %arg9: memref<4x64xi32, #tpu.memory_space<vmem>>, %arg10: memref<2x64xi32, #tpu.memory_space<vmem>>, %arg11: memref<3x64x128xf32, #tpu.memory_space<vmem>>, %arg12: memref<3x64x128xf32, #tpu.memory_space<vmem>>, %arg13: memref<2x64x128xf32, #tpu.memory_space<vmem>>, %arg14: memref<41x128xf32, #tpu.memory_space<vmem>>, %arg15: memref<10240xf32, #tpu.memory_space<vmem>>, %arg16: memref<5216x128xf32, #tpu.memory_space<vmem_shared>>, %arg17: memref<2x3x!tpu.dma_semaphore, #tpu.memory_space<semaphore_mem>>, %arg18: memref<2x4x!tpu.dma_semaphore, #tpu.memory_space<semaphore_mem>>, %arg19: memref<2x!tpu.dma_semaphore, #tpu.memory_space<semaphore_mem>>) attributes {dimension_semantics = [#tpu.dimension_semantics<core_parallel>, #tpu.dimension_semantics<subcore_parallel>], iteration_bounds = array<i64: 2, 16>, scalar_prefetch = 0 : i64, scratch_operands = 12 : i64, tpu.core_type = #tpu.core_type<sc_vector_subcore>, window_params = [{transform_indices = #map}, {transform_indices = #map}, {transform_indices = #map1}, {transform_indices = #map1}, {transform_indices = #map2}, {transform_indices = #map}]} {
    %broadcast_in_dim3A = arith.constant 0.000000e+00 : f32
    %broadcast_in_dim3A_0 = vector.broadcast %broadcast_in_dim3A : f32 to vector<16xf32>
    %broadcast_in_dim3A_1 = arith.constant 1.000000e+00 : f32
    %broadcast_in_dim3A_2 = vector.broadcast %broadcast_in_dim3A_1 : f32 to vector<16xf32>
    %broadcast_in_dim3A_3 = arith.constant 5120 : i32
    %broadcast_in_dim3A_4 = vector.broadcast %broadcast_in_dim3A_3 : i32 to vector<16xi32>
    %broadcast_in_dim3A_5 = arith.constant 5120 : i32
    %broadcast_in_dim3A_6 = vector.broadcast %broadcast_in_dim3A_5 : i32 to vector<16xi32>
    %broadcast_in_dim3A_7 = arith.constant 0 : i32
    %broadcast_in_dim3A_8 = vector.broadcast %broadcast_in_dim3A_7 : i32 to vector<16xi32>
    %mul3A = arith.constant 5120 : i32
    %mul3A_9 = arith.muli %arg0, %mul3A : i32
    %add3A = vector.broadcast %mul3A_9 : i32 to vector<16xi32>
    %add3A_10 = arith.addi %broadcast_in_dim3A_8, %add3A : vector<16xi32>
    %scan3A = arith.constant 0 : i32
    %scan3A_11 = arith.constant 0 : i32
    %scan3A_12 = arith.constant 328 : i32
    %scan3A_13 = arith.addi %scan3A_11, %scan3A_12 : i32
    %scan3A_14 = arith.constant 1 : i32
    scf.for %scan3A_77 = %scan3A_11 to %scan3A_13 step %scan3A_14  : i32 {
      %jit3A = arith.constant 8 : i32
      %div3A = arith.divsi %scan3A_77, %jit3A : i32
      %sign3A = arith.constant 0 : i32
      %sign3A_78 = arith.cmpi sgt, %scan3A_77, %sign3A : i32
      %sign3A_79 = arith.extui %sign3A_78 : i1 to i32
      %sign3A_80 = arith.constant 0 : i32
      %sign3A_81 = arith.cmpi slt, %scan3A_77, %sign3A_80 : i32
      %sign3A_82 = arith.extui %sign3A_81 : i1 to i32
      %sign3A_83 = arith.subi %sign3A_79, %sign3A_82 : i32
      %sign3A_84 = arith.constant 0 : i32
      %sign3A_85 = arith.cmpi sgt, %jit3A, %sign3A_84 : i32
      %sign3A_86 = arith.extui %sign3A_85 : i1 to i32
      %sign3A_87 = arith.constant 0 : i32
      %sign3A_88 = arith.cmpi slt, %jit3A, %sign3A_87 : i32
      %sign3A_89 = arith.extui %sign3A_88 : i1 to i32
      %sign3A_90 = arith.subi %sign3A_86, %sign3A_89 : i32
      %ne3A = arith.cmpi ne, %sign3A_83, %sign3A_90 : i32
      %rem3A = arith.remsi %scan3A_77, %jit3A : i32
      %ne3A_91 = arith.constant 0 : i32
      %ne3A_92 = arith.cmpi ne, %rem3A, %ne3A_91 : i32
      %and3A = arith.andi %ne3A, %ne3A_92 : i1
      %sub3A_93 = arith.constant 1 : i32
      %sub3A_94 = arith.subi %div3A, %sub3A_93 : i32
      %select_n3A = arith.select %and3A, %sub3A_94, %div3A : i32
      %jit3A_95 = arith.constant 8 : i32
      %eq3A = arith.constant 0 : i32
      %eq3A_96 = arith.cmpi eq, %jit3A_95, %eq3A : i32
      %jit3A_97 = arith.constant 1 : i32
      %select_n3A_98 = arith.select %eq3A_96, %jit3A_97, %jit3A_95 : i32
      %rem3A_99 = arith.remsi %scan3A_77, %select_n3A_98 : i32
      %ne3A_100 = arith.constant 0 : i32
      %ne3A_101 = arith.cmpi ne, %rem3A_99, %ne3A_100 : i32
      %lt3A = arith.constant 0 : i32
      %lt3A_102 = arith.cmpi slt, %rem3A_99, %lt3A : i32
      %lt3A_103 = arith.constant 0 : i32
      %lt3A_104 = arith.cmpi slt, %select_n3A_98, %lt3A_103 : i32
      %ne3A_105 = arith.xori %lt3A_102, %lt3A_104 : i1
      %and3A_106 = arith.andi %ne3A_105, %ne3A_101 : i1
      %add3A_107 = arith.addi %rem3A_99, %select_n3A_98 : i32
      %select_n3A_108 = arith.select %and3A_106, %add3A_107, %rem3A_99 : i32
      %mul3A_109 = arith.constant 16 : i32
      %mul3A_110 = arith.muli %select_n3A_108, %mul3A_109 : i32
      %swap3A = arith.index_cast %select_n3A : i32 to index
      %swap3A_111 = arith.index_cast %mul3A_110 : i32 to index
      %swap3A_112 = tpu.vector_load %arg14[%swap3A, %swap3A_111] {strides = array<i32>} : memref<41x128xf32, #tpu.memory_space<vmem>>, vector<16xf32>,
      tpu.vector_store %arg14[%swap3A, %swap3A_111], %broadcast_in_dim3A_0 {strides = array<i32>} : memref<41x128xf32, #tpu.memory_space<vmem>>, vector<16xf32>,
    }
    %scan3A_15 = arith.constant 328 : i32
    %scan3A_16 = arith.constant 0 : i32
    %scan3A_17 = arith.constant 0 : i32
    %scan3A_18 = arith.constant 640 : i32
    %scan3A_19 = arith.addi %scan3A_17, %scan3A_18 : i32
    %scan3A_20 = arith.constant 1 : i32
    scf.for %scan3A_77 = %scan3A_17 to %scan3A_19 step %scan3A_20  : i32 {
      %mul3A_78 = arith.constant 16 : i32
      %mul3A_79 = arith.muli %scan3A_77, %mul3A_78 : i32
      %swap3A = arith.index_cast %mul3A_79 : i32 to index
      %swap3A_80 = tpu.vector_load %arg15[%swap3A] {strides = array<i32>} : memref<10240xf32, #tpu.memory_space<vmem>>, vector<16xf32>,
      tpu.vector_store %arg15[%swap3A], %broadcast_in_dim3A_0 {strides = array<i32>} : memref<10240xf32, #tpu.memory_space<vmem>>, vector<16xf32>,
    }
    %scan3A_21 = arith.constant 640 : i32
    %scan3A_22 = arith.constant 0 : i32
    %scan3A_23 = arith.constant 0 : i32
    %scan3A_24 = arith.constant 7 : i32
    %scan3A_25 = arith.addi %scan3A_23, %scan3A_24 : i32
    %scan3A_26 = arith.constant 1 : i32
    scf.for %scan3A_77 = %scan3A_23 to %scan3A_25 step %scan3A_26  : i32 {
      %mul3A_78 = arith.constant 326 : i32
      %mul3A_79 = arith.muli %arg1, %mul3A_78 : i32
      %mul3A_80 = arith.constant 41 : i32
      %mul3A_81 = arith.muli %scan3A_77, %mul3A_80 : i32
      %add3A_82 = arith.addi %mul3A_79, %mul3A_81 : i32
      "tpu.region"() ({
        %run_scoped3A = tpu.sem_alloc : memref<!tpu.dma_semaphore, #tpu.memory_space<semaphore_mem>>
        %dma_start3A_83 = arith.constant 0 : i32
        %dma_start3A_84 = tpu.memref_slice %arg16[%add3A_82, %dma_start3A_83] : memref<5216x128xf32, #tpu.memory_space<vmem_shared>> -> memref<41x128xf32, #tpu.memory_space<vmem_shared>>
        %dma_start3A_85 = arith.constant 0 : i32
        %dma_start3A_86 = tpu.memref_slice %arg16[%add3A_82, %dma_start3A_85] : memref<5216x128xf32, #tpu.memory_space<vmem_shared>> -> memref<41x128xf32, #tpu.memory_space<vmem_shared>>
        tpu.enqueue_dma source(%arg14 : memref<41x128xf32, #tpu.memory_space<vmem>>) target(%dma_start3A_86 : memref<41x128xf32, #tpu.memory_space<vmem_shared>>) target_semaphore(%run_scoped3A : memref<!tpu.dma_semaphore, #tpu.memory_space<semaphore_mem>>)
        %dma_wait3A = arith.constant 0 : i32
        %dma_wait3A_87 = tpu.memref_slice %arg16[%add3A_82, %dma_wait3A] : memref<5216x128xf32, #tpu.memory_space<vmem_shared>> -> memref<41x128xf32, #tpu.memory_space<vmem_shared>>
        %dma_wait3A_88 = arith.constant 0 : i32
        %dma_wait3A_89 = tpu.memref_slice %arg16[%add3A_82, %dma_wait3A_88] : memref<5216x128xf32, #tpu.memory_space<vmem_shared>> -> memref<41x128xf32, #tpu.memory_space<vmem_shared>>
        tpu.wait_dma2 semaphore(%run_scoped3A : memref<!tpu.dma_semaphore, #tpu.memory_space<semaphore_mem>>) src(%arg14 : memref<41x128xf32, #tpu.memory_space<vmem>>) dst(%dma_wait3A_89 : memref<41x128xf32, #tpu.memory_space<vmem_shared>>)
        tpu.yield
      }) : () -> ()
    }
    %scan3A_27 = arith.constant 7 : i32
    %mul3A_28 = arith.constant 326 : i32
    %mul3A_29 = arith.muli %arg1, %mul3A_28 : i32
    %add3A_30 = arith.constant 326 : i32
    %add3A_31 = arith.addi %mul3A_29, %add3A_30 : i32
    %sub3A = arith.constant 39 : i32
    %sub3A_32 = arith.subi %add3A_31, %sub3A : i32
    "tpu.region"() ({
      %run_scoped3A = tpu.sem_alloc : memref<!tpu.dma_semaphore, #tpu.memory_space<semaphore_mem>>
      %dma_start3A_77 = arith.constant 0 : i32
      %dma_start3A_78 = arith.constant 0 : i32
      %dma_start3A_79 = tpu.memref_slice %arg14[%dma_start3A_77, %dma_start3A_78] : memref<41x128xf32, #tpu.memory_space<vmem>> -> memref<39x128xf32, #tpu.memory_space<vmem>>
      %dma_start3A_80 = arith.constant 0 : i32
      %dma_start3A_81 = tpu.memref_slice %arg16[%sub3A_32, %dma_start3A_80] : memref<5216x128xf32, #tpu.memory_space<vmem_shared>> -> memref<39x128xf32, #tpu.memory_space<vmem_shared>>
      %dma_start3A_82 = arith.constant 0 : i32
      %dma_start3A_83 = tpu.memref_slice %arg16[%sub3A_32, %dma_start3A_82] : memref<5216x128xf32, #tpu.memory_space<vmem_shared>> -> memref<39x128xf32, #tpu.memory_space<vmem_shared>>
      %dma_start3A_84 = arith.constant 0 : i32
      %dma_start3A_85 = arith.constant 0 : i32
      %dma_start3A_86 = tpu.memref_slice %arg14[%dma_start3A_84, %dma_start3A_85] : memref<41x128xf32, #tpu.memory_space<vmem>> -> memref<39x128xf32, #tpu.memory_space<vmem>>
      tpu.enqueue_dma source(%dma_start3A_86 : memref<39x128xf32, #tpu.memory_space<vmem>>) target(%dma_start3A_83 : memref<39x128xf32, #tpu.memory_space<vmem_shared>>) target_semaphore(%run_scoped3A : memref<!tpu.dma_semaphore, #tpu.memory_space<semaphore_mem>>)
      %dma_wait3A = arith.constant 0 : i32
      %dma_wait3A_87 = arith.constant 0 : i32
      %dma_wait3A_88 = tpu.memref_slice %arg14[%dma_wait3A, %dma_wait3A_87] : memref<41x128xf32, #tpu.memory_space<vmem>> -> memref<39x128xf32, #tpu.memory_space<vmem>>
      %dma_wait3A_89 = arith.constant 0 : i32
      %dma_wait3A_90 = tpu.memref_slice %arg16[%sub3A_32, %dma_wait3A_89] : memref<5216x128xf32, #tpu.memory_space<vmem_shared>> -> memref<39x128xf32, #tpu.memory_space<vmem_shared>>
      %dma_wait3A_91 = arith.constant 0 : i32
      %dma_wait3A_92 = tpu.memref_slice %arg16[%sub3A_32, %dma_wait3A_91] : memref<5216x128xf32, #tpu.memory_space<vmem_shared>> -> memref<39x128xf32, #tpu.memory_space<vmem_shared>>
      %dma_wait3A_93 = arith.constant 0 : i32
      %dma_wait3A_94 = arith.constant 0 : i32
      %dma_wait3A_95 = tpu.memref_slice %arg14[%dma_wait3A_93, %dma_wait3A_94] : memref<41x128xf32, #tpu.memory_space<vmem>> -> memref<39x128xf32, #tpu.memory_space<vmem>>
      tpu.wait_dma2 semaphore(%run_scoped3A : memref<!tpu.dma_semaphore, #tpu.memory_space<semaphore_mem>>) src(%dma_wait3A_95 : memref<39x128xf32, #tpu.memory_space<vmem>>) dst(%dma_wait3A_92 : memref<39x128xf32, #tpu.memory_space<vmem_shared>>)
      tpu.yield
    }) : () -> ()
    %barrier3A = arith.constant 0 : index
    tpu.barrier barrier_id(%barrier3A)
    %mul3A_33 = arith.constant 20224 : i32
    %mul3A_34 = arith.muli %arg1, %mul3A_33 : i32
    %dma_start3A = arith.constant 0 : i32
    %dma_start3A_35 = arith.constant 0 : i32
    %dma_start3A_36 = arith.constant 0 : i32
    %dma_start3A_37 = arith.constant 0 : i32
    %dma_start3A_38 = tpu.memref_slice %arg8[%dma_start3A, %dma_start3A_37] : memref<4x64xi32, #tpu.memory_space<vmem>> -> memref<1x64xi32, #tpu.memory_space<vmem>>
    %dma_start3A_39 = tpu.memref_squeeze %dma_start3A_38 : memref<1x64xi32, #tpu.memory_space<vmem>> -> memref<64xi32, #tpu.memory_space<vmem>>
    %dma_start3A_40 = tpu.memref_slice %arg4[%mul3A_34] : memref<323584xi32, #tpu.memory_space<hbm>> -> memref<64xi32, #tpu.memory_space<hbm>>
    %dma_start3A_41 = tpu.memref_slice %arg18[%dma_start3A_35, %dma_start3A_36] : memref<2x4x!tpu.dma_semaphore, #tpu.memory_space<semaphore_mem>> -> memref<1x1x!tpu.dma_semaphore, #tpu.memory_space<semaphore_mem>>
    %dma_start3A_42 = tpu.memref_squeeze %dma_start3A_41 : memref<1x1x!tpu.dma_semaphore, #tpu.memory_space<semaphore_mem>> -> memref<!tpu.dma_semaphore, #tpu.memory_space<semaphore_mem>>
    %dma_start3A_43 = arith.constant 0 : i32
    %dma_start3A_44 = tpu.memref_slice %arg8[%dma_start3A, %dma_start3A_43] : memref<4x64xi32, #tpu.memory_space<vmem>> -> memref<1x64xi32, #tpu.memory_space<vmem>>
    %dma_start3A_45 = tpu.memref_squeeze %dma_start3A_44 : memref<1x64xi32, #tpu.memory_space<vmem>> -> memref<64xi32, #tpu.memory_space<vmem>>
    %dma_start3A_46 = tpu.memref_slice %arg4[%mul3A_34] : memref<323584xi32, #tpu.memory_space<hbm>> -> memref<64xi32, #tpu.memory_space<hbm>>
    tpu.enqueue_dma source(%dma_start3A_46 : memref<64xi32, #tpu.memory_space<hbm>>) target(%dma_start3A_45 : memref<64xi32, #tpu.memory_space<vmem>>) target_semaphore(%dma_start3A_42 : memref<!tpu.dma_semaphore, #tpu.memory_space<semaphore_mem>>)
    %dma_start3A_47 = arith.constant 0 : i32
    %dma_start3A_48 = arith.constant 1 : i32
    %dma_start3A_49 = arith.constant 0 : i32
    %dma_start3A_50 = arith.constant 0 : i32
    %dma_start3A_51 = tpu.memref_slice %arg9[%dma_start3A_47, %dma_start3A_50] : memref<4x64xi32, #tpu.memory_space<vmem>> -> memref<1x64xi32, #tpu.memory_space<vmem>>
    %dma_start3A_52 = tpu.memref_squeeze %dma_start3A_51 : memref<1x64xi32, #tpu.memory_space<vmem>> -> memref<64xi32, #tpu.memory_space<vmem>>
    %dma_start3A_53 = tpu.memref_slice %arg5[%mul3A_34] : memref<323584xi32, #tpu.memory_space<hbm>> -> memref<64xi32, #tpu.memory_space<hbm>>
    %dma_start3A_54 = tpu.memref_slice %arg18[%dma_start3A_48, %dma_start3A_49] : memref<2x4x!tpu.dma_semaphore, #tpu.memory_space<semaphore_mem>> -> memref<1x1x!tpu.dma_semaphore, #tpu.memory_space<semaphore_mem>>
    %dma_start3A_55 = tpu.memref_squeeze %dma_start3A_54 : memref<1x1x!tpu.dma_semaphore, #tpu.memory_space<semaphore_mem>> -> memref<!tpu.dma_semaphore, #tpu.memory_space<semaphore_mem>>
    %dma_start3A_56 = arith.constant 0 : i32
    %dma_start3A_57 = tpu.memref_slice %arg9[%dma_start3A_47, %dma_start3A_56] : memref<4x64xi32, #tpu.memory_space<vmem>> -> memref<1x64xi32, #tpu.memory_space<vmem>>
    %dma_start3A_58 = tpu.memref_squeeze %dma_start3A_57 : memref<1x64xi32, #tpu.memory_space<vmem>> -> memref<64xi32, #tpu.memory_space<vmem>>
    %dma_start3A_59 = tpu.memref_slice %arg5[%mul3A_34] : memref<323584xi32, #tpu.memory_space<hbm>> -> memref<64xi32, #tpu.memory_space<hbm>>
    tpu.enqueue_dma source(%dma_start3A_59 : memref<64xi32, #tpu.memory_space<hbm>>) target(%dma_start3A_58 : memref<64xi32, #tpu.memory_space<vmem>>) target_semaphore(%dma_start3A_55 : memref<!tpu.dma_semaphore, #tpu.memory_space<semaphore_mem>>)
    %scan3A_60 = arith.constant 0 : i32
    %scan3A_61 = arith.constant 0 : i32
    %scan3A_62 = arith.constant 318 : i32
    %scan3A_63 = arith.addi %scan3A_61, %scan3A_62 : i32
    %scan3A_64 = arith.constant 1 : i32
    scf.for %scan3A_77 = %scan3A_61 to %scan3A_63 step %scan3A_64  : i32 {
      %lt3A = arith.constant 316 : i32
      %lt3A_78 = arith.cmpi slt, %scan3A_77, %lt3A : i32
      %convert_element_type3A = arith.extui %lt3A_78 : i1 to i32
      %cond3A = arith.constant 0 : i32
      %cond3A_79 = arith.cmpi ne, %convert_element_type3A, %cond3A : i32
      scf.if %cond3A_79 {
        %jit3A = arith.constant 3 : i32
        %eq3A = arith.constant 0 : i32
        %eq3A_84 = arith.cmpi eq, %jit3A, %eq3A : i32
        %jit3A_85 = arith.constant 1 : i32
        %select_n3A = arith.select %eq3A_84, %jit3A_85, %jit3A : i32
        %rem3A = arith.remsi %scan3A_77, %select_n3A : i32
        %ne3A = arith.constant 0 : i32
        %ne3A_86 = arith.cmpi ne, %rem3A, %ne3A : i32
        %lt3A_87 = arith.constant 0 : i32
        %lt3A_88 = arith.cmpi slt, %rem3A, %lt3A_87 : i32
        %lt3A_89 = arith.constant 0 : i32
        %lt3A_90 = arith.cmpi slt, %select_n3A, %lt3A_89 : i32
        %ne3A_91 = arith.xori %lt3A_88, %lt3A_90 : i1
        %and3A = arith.andi %ne3A_91, %ne3A_86 : i1
        %add3A_92 = arith.addi %rem3A, %select_n3A : i32
        %select_n3A_93 = arith.select %and3A, %add3A_92, %rem3A : i32
        %jit3A_94 = arith.constant 4 : i32
        %eq3A_95 = arith.constant 0 : i32
        %eq3A_96 = arith.cmpi eq, %jit3A_94, %eq3A_95 : i32
        %jit3A_97 = arith.constant 1 : i32
        %select_n3A_98 = arith.select %eq3A_96, %jit3A_97, %jit3A_94 : i32
        %rem3A_99 = arith.remsi %scan3A_77, %select_n3A_98 : i32
        %ne3A_100 = arith.constant 0 : i32
        %ne3A_101 = arith.cmpi ne, %rem3A_99, %ne3A_100 : i32
        %lt3A_102 = arith.constant 0 : i32
        %lt3A_103 = arith.cmpi slt, %rem3A_99, %lt3A_102 : i32
        %lt3A_104 = arith.constant 0 : i32
        %lt3A_105 = arith.cmpi slt, %select_n3A_98, %lt3A_104 : i32
        %ne3A_106 = arith.xori %lt3A_103, %lt3A_105 : i1
        %and3A_107 = arith.andi %ne3A_106, %ne3A_101 : i1
        %add3A_108 = arith.addi %rem3A_99, %select_n3A_98 : i32
        %select_n3A_109 = arith.select %and3A_107, %add3A_108, %rem3A_99 : i32
        %mul3A_110 = arith.constant 64 : i32
        %mul3A_111 = arith.muli %scan3A_77, %mul3A_110 : i32
        %add3A_112 = arith.addi %mul3A_34, %mul3A_111 : i32
        %dma_wait3A = arith.constant 0 : i32
        %dma_wait3A_113 = arith.constant 0 : i32
        %dma_wait3A_114 = tpu.memref_slice %arg8[%select_n3A_109, %dma_wait3A_113] : memref<4x64xi32, #tpu.memory_space<vmem>> -> memref<1x64xi32, #tpu.memory_space<vmem>>
        %dma_wait3A_115 = tpu.memref_squeeze %dma_wait3A_114 : memref<1x64xi32, #tpu.memory_space<vmem>> -> memref<64xi32, #tpu.memory_space<vmem>>
        %dma_wait3A_116 = tpu.memref_slice %arg4[%add3A_112] : memref<323584xi32, #tpu.memory_space<hbm>> -> memref<64xi32, #tpu.memory_space<hbm>>
        %dma_wait3A_117 = tpu.memref_slice %arg18[%dma_wait3A, %select_n3A_109] : memref<2x4x!tpu.dma_semaphore, #tpu.memory_space<semaphore_mem>> -> memref<1x1x!tpu.dma_semaphore, #tpu.memory_space<semaphore_mem>>
        %dma_wait3A_118 = tpu.memref_squeeze %dma_wait3A_117 : memref<1x1x!tpu.dma_semaphore, #tpu.memory_space<semaphore_mem>> -> memref<!tpu.dma_semaphore, #tpu.memory_space<semaphore_mem>>
        %dma_wait3A_119 = arith.constant 0 : i32
        %dma_wait3A_120 = tpu.memref_slice %arg8[%select_n3A_109, %dma_wait3A_119] : memref<4x64xi32, #tpu.memory_space<vmem>> -> memref<1x64xi32, #tpu.memory_space<vmem>>
        %dma_wait3A_121 = tpu.memref_squeeze %dma_wait3A_120 : memref<1x64xi32, #tpu.memory_space<vmem>> -> memref<64xi32, #tpu.memory_space<vmem>>
        %dma_wait3A_122 = tpu.memref_slice %arg4[%add3A_112] : memref<323584xi32, #tpu.memory_space<hbm>> -> memref<64xi32, #tpu.memory_space<hbm>>
        tpu.wait_dma2 semaphore(%dma_wait3A_118 : memref<!tpu.dma_semaphore, #tpu.memory_space<semaphore_mem>>) src(%dma_wait3A_122 : memref<64xi32, #tpu.memory_space<hbm>>) dst(%dma_wait3A_121 : memref<64xi32, #tpu.memory_space<vmem>>)
        %dma_wait3A_123 = arith.constant 1 : i32
        %dma_wait3A_124 = arith.constant 0 : i32
        %dma_wait3A_125 = tpu.memref_slice %arg9[%select_n3A_109, %dma_wait3A_124] : memref<4x64xi32, #tpu.memory_space<vmem>> -> memref<1x64xi32, #tpu.memory_space<vmem>>
        %dma_wait3A_126 = tpu.memref_squeeze %dma_wait3A_125 : memref<1x64xi32, #tpu.memory_space<vmem>> -> memref<64xi32, #tpu.memory_space<vmem>>
        %dma_wait3A_127 = tpu.memref_slice %arg5[%add3A_112] : memref<323584xi32, #tpu.memory_space<hbm>> -> memref<64xi32, #tpu.memory_space<hbm>>
        %dma_wait3A_128 = tpu.memref_slice %arg18[%dma_wait3A_123, %select_n3A_109] : memref<2x4x!tpu.dma_semaphore, #tpu.memory_space<semaphore_mem>> -> memref<1x1x!tpu.dma_semaphore, #tpu.memory_space<semaphore_mem>>
        %dma_wait3A_129 = tpu.memref_squeeze %dma_wait3A_128 : memref<1x1x!tpu.dma_semaphore, #tpu.memory_space<semaphore_mem>> -> memref<!tpu.dma_semaphore, #tpu.memory_space<semaphore_mem>>
        %dma_wait3A_130 = arith.constant 0 : i32
        %dma_wait3A_131 = tpu.memref_slice %arg9[%select_n3A_109, %dma_wait3A_130] : memref<4x64xi32, #tpu.memory_space<vmem>> -> memref<1x64xi32, #tpu.memory_space<vmem>>
        %dma_wait3A_132 = tpu.memref_squeeze %dma_wait3A_131 : memref<1x64xi32, #tpu.memory_space<vmem>> -> memref<64xi32, #tpu.memory_space<vmem>>
        %dma_wait3A_133 = tpu.memref_slice %arg5[%add3A_112] : memref<323584xi32, #tpu.memory_space<hbm>> -> memref<64xi32, #tpu.memory_space<hbm>>
        tpu.wait_dma2 semaphore(%dma_wait3A_129 : memref<!tpu.dma_semaphore, #tpu.memory_space<semaphore_mem>>) src(%dma_wait3A_133 : memref<64xi32, #tpu.memory_space<hbm>>) dst(%dma_wait3A_132 : memref<64xi32, #tpu.memory_space<vmem>>)
        %dma_start3A_134 = arith.constant 0 : i32
        %dma_start3A_135 = arith.constant 0 : i32
        %dma_start3A_136 = arith.constant 0 : i32
        %dma_start3A_137 = tpu.memref_slice %arg11[%select_n3A_93, %dma_start3A_135, %dma_start3A_136] : memref<3x64x128xf32, #tpu.memory_space<vmem>> -> memref<1x64x128xf32, #tpu.memory_space<vmem>>
        %dma_start3A_138 = tpu.memref_squeeze %dma_start3A_137 : memref<1x64x128xf32, #tpu.memory_space<vmem>> -> memref<64x128xf32, #tpu.memory_space<vmem>>
        %dma_start3A_139 = arith.constant 0 : i32
        %dma_start3A_140 = tpu.memref_slice %arg9[%select_n3A_109, %dma_start3A_139] : memref<4x64xi32, #tpu.memory_space<vmem>> -> memref<1x64xi32, #tpu.memory_space<vmem>>
        %dma_start3A_141 = tpu.memref_squeeze %dma_start3A_140 : memref<1x64xi32, #tpu.memory_space<vmem>> -> memref<64xi32, #tpu.memory_space<vmem>>
        %dma_start3A_142 = arith.constant 0 : i32
        %dma_start3A_143 = arith.constant 0 : i32
        %dma_start3A_144 = tpu.memref_slice %arg2[%dma_start3A_142, %dma_start3A_143] : memref<10240x128xf32, #tpu.memory_space<hbm>> -> memref<10240x128xf32, #tpu.memory_space<hbm>>
        %dma_start3A_145 = tpu.memref_slice %arg17[%dma_start3A_134, %select_n3A_93] : memref<2x3x!tpu.dma_semaphore, #tpu.memory_space<semaphore_mem>> -> memref<1x1x!tpu.dma_semaphore, #tpu.memory_space<semaphore_mem>>
        %dma_start3A_146 = tpu.memref_squeeze %dma_start3A_145 : memref<1x1x!tpu.dma_semaphore, #tpu.memory_space<semaphore_mem>> -> memref<!tpu.dma_semaphore, #tpu.memory_space<semaphore_mem>>
        tpu.enqueue_indirect_dma source(%dma_start3A_144 : memref<10240x128xf32, #tpu.memory_space<hbm>>) target(%dma_start3A_138 : memref<64x128xf32, #tpu.memory_space<vmem>>) offsets(%dma_start3A_141 : memref<64xi32, #tpu.memory_space<vmem>>) semaphore(%dma_start3A_146 : memref<!tpu.dma_semaphore, #tpu.memory_space<semaphore_mem>>)
        %dma_start3A_147 = arith.constant 1 : i32
        %dma_start3A_148 = arith.constant 0 : i32
        %dma_start3A_149 = arith.constant 0 : i32
        %dma_start3A_150 = tpu.memref_slice %arg12[%select_n3A_93, %dma_start3A_148, %dma_start3A_149] : memref<3x64x128xf32, #tpu.memory_space<vmem>> -> memref<1x64x128xf32, #tpu.memory_space<vmem>>
        %dma_start3A_151 = tpu.memref_squeeze %dma_start3A_150 : memref<1x64x128xf32, #tpu.memory_space<vmem>> -> memref<64x128xf32, #tpu.memory_space<vmem>>
        %dma_start3A_152 = arith.constant 0 : i32
        %dma_start3A_153 = tpu.memref_slice %arg8[%select_n3A_109, %dma_start3A_152] : memref<4x64xi32, #tpu.memory_space<vmem>> -> memref<1x64xi32, #tpu.memory_space<vmem>>
        %dma_start3A_154 = tpu.memref_squeeze %dma_start3A_153 : memref<1x64xi32, #tpu.memory_space<vmem>> -> memref<64xi32, #tpu.memory_space<vmem>>
        %dma_start3A_155 = arith.constant 0 : i32
        %dma_start3A_156 = arith.constant 0 : i32
        %dma_start3A_157 = tpu.memref_slice %arg3[%dma_start3A_155, %dma_start3A_156] : memref<10240x128xf32, #tpu.memory_space<hbm>> -> memref<10240x128xf32, #tpu.memory_space<hbm>>
        %dma_start3A_158 = tpu.memref_slice %arg17[%dma_start3A_147, %select_n3A_93] : memref<2x3x!tpu.dma_semaphore, #tpu.memory_space<semaphore_mem>> -> memref<1x1x!tpu.dma_semaphore, #tpu.memory_space<semaphore_mem>>
        %dma_start3A_159 = tpu.memref_squeeze %dma_start3A_158 : memref<1x1x!tpu.dma_semaphore, #tpu.memory_space<semaphore_mem>> -> memref<!tpu.dma_semaphore, #tpu.memory_space<semaphore_mem>>
        tpu.enqueue_indirect_dma source(%dma_start3A_157 : memref<10240x128xf32, #tpu.memory_space<hbm>>) target(%dma_start3A_151 : memref<64x128xf32, #tpu.memory_space<vmem>>) offsets(%dma_start3A_154 : memref<64xi32, #tpu.memory_space<vmem>>) semaphore(%dma_start3A_159 : memref<!tpu.dma_semaphore, #tpu.memory_space<semaphore_mem>>)
        %add3A_160 = arith.constant 1 : i32
        %add3A_161 = arith.addi %scan3A_77, %add3A_160 : i32
        %lt3A_162 = arith.constant 316 : i32
        %lt3A_163 = arith.cmpi slt, %add3A_161, %lt3A_162 : i32
        %convert_element_type3A_164 = arith.extui %lt3A_163 : i1 to i32
        %cond3A_165 = arith.constant 0 : i32
        %cond3A_166 = arith.cmpi ne, %convert_element_type3A_164, %cond3A_165 : i32
        scf.if %cond3A_166 {
          %add3A_167 = arith.constant 1 : i32
          %add3A_168 = arith.addi %scan3A_77, %add3A_167 : i32
          %jit3A_169 = arith.constant 4 : i32
          %eq3A_170 = arith.constant 0 : i32
          %eq3A_171 = arith.cmpi eq, %jit3A_169, %eq3A_170 : i32
          %jit3A_172 = arith.constant 1 : i32
          %select_n3A_173 = arith.select %eq3A_171, %jit3A_172, %jit3A_169 : i32
          %rem3A_174 = arith.remsi %add3A_168, %select_n3A_173 : i32
          %ne3A_175 = arith.constant 0 : i32
          %ne3A_176 = arith.cmpi ne, %rem3A_174, %ne3A_175 : i32
          %lt3A_177 = arith.constant 0 : i32
          %lt3A_178 = arith.cmpi slt, %rem3A_174, %lt3A_177 : i32
          %lt3A_179 = arith.constant 0 : i32
          %lt3A_180 = arith.cmpi slt, %select_n3A_173, %lt3A_179 : i32
          %ne3A_181 = arith.xori %lt3A_178, %lt3A_180 : i1
          %and3A_182 = arith.andi %ne3A_181, %ne3A_176 : i1
          %add3A_183 = arith.addi %rem3A_174, %select_n3A_173 : i32
          %select_n3A_184 = arith.select %and3A_182, %add3A_183, %rem3A_174 : i32
          %add3A_185 = arith.constant 1 : i32
          %add3A_186 = arith.addi %scan3A_77, %add3A_185 : i32
          %mul3A_187 = arith.constant 64 : i32
          %mul3A_188 = arith.muli %add3A_186, %mul3A_187 : i32
          %add3A_189 = arith.addi %mul3A_34, %mul3A_188 : i32
          %dma_start3A_190 = arith.constant 0 : i32
          %dma_start3A_191 = arith.constant 0 : i32
          %dma_start3A_192 = tpu.memref_slice %arg8[%select_n3A_184, %dma_start3A_191] : memref<4x64xi32, #tpu.memory_space<vmem>> -> memref<1x64xi32, #tpu.memory_space<vmem>>
          %dma_start3A_193 = tpu.memref_squeeze %dma_start3A_192 : memref<1x64xi32, #tpu.memory_space<vmem>> -> memref<64xi32, #tpu.memory_space<vmem>>
          %dma_start3A_194 = tpu.memref_slice %arg4[%add3A_189] : memref<323584xi32, #tpu.memory_space<hbm>> -> memref<64xi32, #tpu.memory_space<hbm>>
          %dma_start3A_195 = tpu.memref_slice %arg18[%dma_start3A_190, %select_n3A_184] : memref<2x4x!tpu.dma_semaphore, #tpu.memory_space<semaphore_mem>> -> memref<1x1x!tpu.dma_semaphore, #tpu.memory_space<semaphore_mem>>
          %dma_start3A_196 = tpu.memref_squeeze %dma_start3A_195 : memref<1x1x!tpu.dma_semaphore, #tpu.memory_space<semaphore_mem>> -> memref<!tpu.dma_semaphore, #tpu.memory_space<semaphore_mem>>
          %dma_start3A_197 = arith.constant 0 : i32
          %dma_start3A_198 = tpu.memref_slice %arg8[%select_n3A_184, %dma_start3A_197] : memref<4x64xi32, #tpu.memory_space<vmem>> -> memref<1x64xi32, #tpu.memory_space<vmem>>
          %dma_start3A_199 = tpu.memref_squeeze %dma_start3A_198 : memref<1x64xi32, #tpu.memory_space<vmem>> -> memref<64xi32, #tpu.memory_space<vmem>>
          %dma_start3A_200 = tpu.memref_slice %arg4[%add3A_189] : memref<323584xi32, #tpu.memory_space<hbm>> -> memref<64xi32, #tpu.memory_space<hbm>>
          tpu.enqueue_dma source(%dma_start3A_200 : memref<64xi32, #tpu.memory_space<hbm>>) target(%dma_start3A_199 : memref<64xi32, #tpu.memory_space<vmem>>) target_semaphore(%dma_start3A_196 : memref<!tpu.dma_semaphore, #tpu.memory_space<semaphore_mem>>)
          %dma_start3A_201 = arith.constant 1 : i32
          %dma_start3A_202 = arith.constant 0 : i32
          %dma_start3A_203 = tpu.memref_slice %arg9[%select_n3A_184, %dma_start3A_202] : memref<4x64xi32, #tpu.memory_space<vmem>> -> memref<1x64xi32, #tpu.memory_space<vmem>>
          %dma_start3A_204 = tpu.memref_squeeze %dma_start3A_203 : memref<1x64xi32, #tpu.memory_space<vmem>> -> memref<64xi32, #tpu.memory_space<vmem>>
          %dma_start3A_205 = tpu.memref_slice %arg5[%add3A_189] : memref<323584xi32, #tpu.memory_space<hbm>> -> memref<64xi32, #tpu.memory_space<hbm>>
          %dma_start3A_206 = tpu.memref_slice %arg18[%dma_start3A_201, %select_n3A_184] : memref<2x4x!tpu.dma_semaphore, #tpu.memory_space<semaphore_mem>> -> memref<1x1x!tpu.dma_semaphore, #tpu.memory_space<semaphore_mem>>
          %dma_start3A_207 = tpu.memref_squeeze %dma_start3A_206 : memref<1x1x!tpu.dma_semaphore, #tpu.memory_space<semaphore_mem>> -> memref<!tpu.dma_semaphore, #tpu.memory_space<semaphore_mem>>
          %dma_start3A_208 = arith.constant 0 : i32
          %dma_start3A_209 = tpu.memref_slice %arg9[%select_n3A_184, %dma_start3A_208] : memref<4x64xi32, #tpu.memory_space<vmem>> -> memref<1x64xi32, #tpu.memory_space<vmem>>
          %dma_start3A_210 = tpu.memref_squeeze %dma_start3A_209 : memref<1x64xi32, #tpu.memory_space<vmem>> -> memref<64xi32, #tpu.memory_space<vmem>>
          %dma_start3A_211 = tpu.memref_slice %arg5[%add3A_189] : memref<323584xi32, #tpu.memory_space<hbm>> -> memref<64xi32, #tpu.memory_space<hbm>>
          tpu.enqueue_dma source(%dma_start3A_211 : memref<64xi32, #tpu.memory_space<hbm>>) target(%dma_start3A_210 : memref<64xi32, #tpu.memory_space<vmem>>) target_semaphore(%dma_start3A_207 : memref<!tpu.dma_semaphore, #tpu.memory_space<semaphore_mem>>)
        } else {
        }
      } else {
      }
      %ge3A = arith.constant 2 : i32
      %ge3A_80 = arith.cmpi sge, %scan3A_77, %ge3A : i32
      %convert_element_type3A_81 = arith.extui %ge3A_80 : i1 to i32
      %cond3A_82 = arith.constant 0 : i32
      %cond3A_83 = arith.cmpi ne, %convert_element_type3A_81, %cond3A_82 : i32
      scf.if %cond3A_83 {
        %sub3A_84 = arith.constant 2 : i32
        %sub3A_85 = arith.subi %scan3A_77, %sub3A_84 : i32
        %jit3A = arith.constant 3 : i32
        %eq3A = arith.constant 0 : i32
        %eq3A_86 = arith.cmpi eq, %jit3A, %eq3A : i32
        %jit3A_87 = arith.constant 1 : i32
        %select_n3A = arith.select %eq3A_86, %jit3A_87, %jit3A : i32
        %rem3A = arith.remsi %sub3A_85, %select_n3A : i32
        %ne3A = arith.constant 0 : i32
        %ne3A_88 = arith.cmpi ne, %rem3A, %ne3A : i32
        %lt3A_89 = arith.constant 0 : i32
        %lt3A_90 = arith.cmpi slt, %rem3A, %lt3A_89 : i32
        %lt3A_91 = arith.constant 0 : i32
        %lt3A_92 = arith.cmpi slt, %select_n3A, %lt3A_91 : i32
        %ne3A_93 = arith.xori %lt3A_90, %lt3A_92 : i1
        %and3A = arith.andi %ne3A_93, %ne3A_88 : i1
        %add3A_94 = arith.addi %rem3A, %select_n3A : i32
        %select_n3A_95 = arith.select %and3A, %add3A_94, %rem3A : i32
        %sub3A_96 = arith.constant 2 : i32
        %sub3A_97 = arith.subi %scan3A_77, %sub3A_96 : i32
        %jit3A_98 = arith.constant 4 : i32
        %eq3A_99 = arith.constant 0 : i32
        %eq3A_100 = arith.cmpi eq, %jit3A_98, %eq3A_99 : i32
        %jit3A_101 = arith.constant 1 : i32
        %select_n3A_102 = arith.select %eq3A_100, %jit3A_101, %jit3A_98 : i32
        %rem3A_103 = arith.remsi %sub3A_97, %select_n3A_102 : i32
        %ne3A_104 = arith.constant 0 : i32
        %ne3A_105 = arith.cmpi ne, %rem3A_103, %ne3A_104 : i32
        %lt3A_106 = arith.constant 0 : i32
        %lt3A_107 = arith.cmpi slt, %rem3A_103, %lt3A_106 : i32
        %lt3A_108 = arith.constant 0 : i32
        %lt3A_109 = arith.cmpi slt, %select_n3A_102, %lt3A_108 : i32
        %ne3A_110 = arith.xori %lt3A_107, %lt3A_109 : i1
        %and3A_111 = arith.andi %ne3A_110, %ne3A_105 : i1
        %add3A_112 = arith.addi %rem3A_103, %select_n3A_102 : i32
        %select_n3A_113 = arith.select %and3A_111, %add3A_112, %rem3A_103 : i32
        %sub3A_114 = arith.constant 2 : i32
        %sub3A_115 = arith.subi %scan3A_77, %sub3A_114 : i32
        %jit3A_116 = arith.constant 2 : i32
        %eq3A_117 = arith.constant 0 : i32
        %eq3A_118 = arith.cmpi eq, %jit3A_116, %eq3A_117 : i32
        %jit3A_119 = arith.constant 1 : i32
        %select_n3A_120 = arith.select %eq3A_118, %jit3A_119, %jit3A_116 : i32
        %rem3A_121 = arith.remsi %sub3A_115, %select_n3A_120 : i32
        %ne3A_122 = arith.constant 0 : i32
        %ne3A_123 = arith.cmpi ne, %rem3A_121, %ne3A_122 : i32
        %lt3A_124 = arith.constant 0 : i32
        %lt3A_125 = arith.cmpi slt, %rem3A_121, %lt3A_124 : i32
        %lt3A_126 = arith.constant 0 : i32
        %lt3A_127 = arith.cmpi slt, %select_n3A_120, %lt3A_126 : i32
        %ne3A_128 = arith.xori %lt3A_125, %lt3A_127 : i1
        %and3A_129 = arith.andi %ne3A_128, %ne3A_123 : i1
        %add3A_130 = arith.addi %rem3A_121, %select_n3A_120 : i32
        %select_n3A_131 = arith.select %and3A_129, %add3A_130, %rem3A_121 : i32
        %ge3A_132 = arith.constant 4 : i32
        %ge3A_133 = arith.cmpi sge, %scan3A_77, %ge3A_132 : i32
        %convert_element_type3A_134 = arith.extui %ge3A_133 : i1 to i32
        %cond3A_135 = arith.constant 0 : i32
        %cond3A_136 = arith.cmpi ne, %convert_element_type3A_134, %cond3A_135 : i32
        scf.if %cond3A_136 {
          %dma_wait3A_184 = arith.constant 0 : i32
          %dma_wait3A_185 = arith.constant 0 : i32
          %dma_wait3A_186 = tpu.memref_slice %arg13[%select_n3A_131, %dma_wait3A_184, %dma_wait3A_185] : memref<2x64x128xf32, #tpu.memory_space<vmem>> -> memref<1x64x128xf32, #tpu.memory_space<vmem>>
          %dma_wait3A_187 = tpu.memref_squeeze %dma_wait3A_186 : memref<1x64x128xf32, #tpu.memory_space<vmem>> -> memref<64x128xf32, #tpu.memory_space<vmem>>
          %dma_wait3A_188 = arith.constant 0 : i32
          %dma_wait3A_189 = tpu.memref_slice %arg10[%select_n3A_131, %dma_wait3A_188] : memref<2x64xi32, #tpu.memory_space<vmem>> -> memref<1x64xi32, #tpu.memory_space<vmem>>
          %dma_wait3A_190 = tpu.memref_squeeze %dma_wait3A_189 : memref<1x64xi32, #tpu.memory_space<vmem>> -> memref<64xi32, #tpu.memory_space<vmem>>
          %dma_wait3A_191 = arith.constant 0 : i32
          %dma_wait3A_192 = arith.constant 0 : i32
          %dma_wait3A_193 = tpu.memref_slice %arg16[%dma_wait3A_191, %dma_wait3A_192] : memref<5216x128xf32, #tpu.memory_space<vmem_shared>> -> memref<5216x128xf32, #tpu.memory_space<vmem_shared>>
          %dma_wait3A_194 = tpu.memref_slice %arg19[%select_n3A_131] : memref<2x!tpu.dma_semaphore, #tpu.memory_space<semaphore_mem>> -> memref<1x!tpu.dma_semaphore, #tpu.memory_space<semaphore_mem>>
          %dma_wait3A_195 = tpu.memref_squeeze %dma_wait3A_194 : memref<1x!tpu.dma_semaphore, #tpu.memory_space<semaphore_mem>> -> memref<!tpu.dma_semaphore, #tpu.memory_space<semaphore_mem>>
          tpu.wait_indirect_dma semaphore(%dma_wait3A_195 : memref<!tpu.dma_semaphore, #tpu.memory_space<semaphore_mem>>) src(%dma_wait3A_187 : memref<64x128xf32, #tpu.memory_space<vmem>>) dst(%dma_wait3A_193 : memref<5216x128xf32, #tpu.memory_space<vmem_shared>>)
        } else {
        }
        %parallel_loop3A = arith.constant 0 : i32
        %parallel_loop3A_137 = arith.constant 4 : i32
        %parallel_loop3A_138 = arith.constant 1 : i32
        scf.for %parallel_loop3A_184 = %parallel_loop3A to %parallel_loop3A_137 step %parallel_loop3A_138  : i32 {
          %parallel_loop3A_185 = arith.constant 16 : i32
          %parallel_loop3A_186 = arith.muli %parallel_loop3A_184, %parallel_loop3A_185 : i32
          %parallel_loop3A_187 = arith.index_cast %select_n3A_113 : i32 to index
          %parallel_loop3A_188 = arith.index_cast %parallel_loop3A_186 : i32 to index
          %parallel_loop3A_189 = tpu.vector_load %arg9[%parallel_loop3A_187, %parallel_loop3A_188] {strides = array<i32>} : memref<4x64xi32, #tpu.memory_space<vmem>>, vector<16xi32>,
          %parallel_loop3A_190 = arith.subi %parallel_loop3A_189, %add3A_10 : vector<16xi32>
          %parallel_loop3A_191 = arith.constant 0 : i32
          %parallel_loop3A_192 = vector.broadcast %parallel_loop3A_191 : i32 to vector<16xi32>
          %parallel_loop3A_193 = arith.cmpi sge, %parallel_loop3A_190, %parallel_loop3A_192 : vector<16xi32>
          %parallel_loop3A_194 = arith.cmpi slt, %parallel_loop3A_190, %broadcast_in_dim3A_4 : vector<16xi32>
          %parallel_loop3A_195 = arith.andi %parallel_loop3A_193, %parallel_loop3A_194 : vector<16xi1>
          %parallel_loop3A_196 = arith.select %parallel_loop3A_195, %parallel_loop3A_190, %broadcast_in_dim3A_6 : vector<16xi1>, vector<16xi32>
          %parallel_loop3A_197 = arith.constant 16 : i32
          %parallel_loop3A_198 = arith.muli %parallel_loop3A_184, %parallel_loop3A_197 : i32
          %parallel_loop3A_199 = arith.index_cast %select_n3A_131 : i32 to index
          %parallel_loop3A_200 = arith.index_cast %parallel_loop3A_198 : i32 to index
          %parallel_loop3A_201 = tpu.vector_load %arg10[%parallel_loop3A_199, %parallel_loop3A_200] {strides = array<i32>} : memref<2x64xi32, #tpu.memory_space<vmem>>, vector<16xi32>,
          tpu.vector_store %arg10[%parallel_loop3A_199, %parallel_loop3A_200], %parallel_loop3A_196 {strides = array<i32>} : memref<2x64xi32, #tpu.memory_space<vmem>>, vector<16xi32>,
        } {sc.loop_unroll_factor = 2 : i64, sc.parallel_access}
        %eq3A_139 = arith.constant 0 : i32
        %eq3A_140 = arith.cmpi eq, %arg0, %eq3A_139 : i32
        %convert_element_type3A_141 = arith.extui %eq3A_140 : i1 to i32
        %cond3A_142 = arith.constant 0 : i32
        %cond3A_143 = arith.cmpi ne, %convert_element_type3A_141, %cond3A_142 : i32
        scf.if %cond3A_143 {
          %scan3A_184 = arith.constant 0 : i32
          %scan3A_185 = arith.constant 0 : i32
          %scan3A_186 = arith.constant 4 : i32
          %scan3A_187 = arith.addi %scan3A_185, %scan3A_186 : i32
          %scan3A_188 = arith.constant 1 : i32
          scf.for %scan3A_190 = %scan3A_185 to %scan3A_187 step %scan3A_188  : i32 {
            %mul3A_191 = arith.constant 16 : i32
            %mul3A_192 = arith.muli %scan3A_190, %mul3A_191 : i32
            %get3A = arith.index_cast %select_n3A_113 : i32 to index
            %get3A_193 = arith.index_cast %mul3A_192 : i32 to index
            %get3A_194 = tpu.vector_load %arg9[%get3A, %get3A_193] {strides = array<i32>} : memref<4x64xi32, #tpu.memory_space<vmem>>, vector<16xi32>,
            tpu.vector_store_idx %arg15[%get3A_194], %broadcast_in_dim3A_2 {add = true} : memref<10240xf32, #tpu.memory_space<vmem>>[vector<16xi32>], vector<16xf32>,
          }
          %scan3A_189 = arith.constant 4 : i32
        } else {
        }
        %dma_wait3A = arith.constant 0 : i32
        %dma_wait3A_144 = arith.constant 0 : i32
        %dma_wait3A_145 = arith.constant 0 : i32
        %dma_wait3A_146 = tpu.memref_slice %arg11[%select_n3A_95, %dma_wait3A_144, %dma_wait3A_145] : memref<3x64x128xf32, #tpu.memory_space<vmem>> -> memref<1x64x128xf32, #tpu.memory_space<vmem>>
        %dma_wait3A_147 = tpu.memref_squeeze %dma_wait3A_146 : memref<1x64x128xf32, #tpu.memory_space<vmem>> -> memref<64x128xf32, #tpu.memory_space<vmem>>
        %dma_wait3A_148 = arith.constant 0 : i32
        %dma_wait3A_149 = tpu.memref_slice %arg9[%select_n3A_113, %dma_wait3A_148] : memref<4x64xi32, #tpu.memory_space<vmem>> -> memref<1x64xi32, #tpu.memory_space<vmem>>
        %dma_wait3A_150 = tpu.memref_squeeze %dma_wait3A_149 : memref<1x64xi32, #tpu.memory_space<vmem>> -> memref<64xi32, #tpu.memory_space<vmem>>
        %dma_wait3A_151 = arith.constant 0 : i32
        %dma_wait3A_152 = arith.constant 0 : i32
        %dma_wait3A_153 = tpu.memref_slice %arg2[%dma_wait3A_151, %dma_wait3A_152] : memref<10240x128xf32, #tpu.memory_space<hbm>> -> memref<10240x128xf32, #tpu.memory_space<hbm>>
        %dma_wait3A_154 = tpu.memref_slice %arg17[%dma_wait3A, %select_n3A_95] : memref<2x3x!tpu.dma_semaphore, #tpu.memory_space<semaphore_mem>> -> memref<1x1x!tpu.dma_semaphore, #tpu.memory_space<semaphore_mem>>
        %dma_wait3A_155 = tpu.memref_squeeze %dma_wait3A_154 : memref<1x1x!tpu.dma_semaphore, #tpu.memory_space<semaphore_mem>> -> memref<!tpu.dma_semaphore, #tpu.memory_space<semaphore_mem>>
        tpu.wait_indirect_dma semaphore(%dma_wait3A_155 : memref<!tpu.dma_semaphore, #tpu.memory_space<semaphore_mem>>) src(%dma_wait3A_153 : memref<10240x128xf32, #tpu.memory_space<hbm>>) dst(%dma_wait3A_147 : memref<64x128xf32, #tpu.memory_space<vmem>>)
        %dma_wait3A_156 = arith.constant 1 : i32
        %dma_wait3A_157 = arith.constant 0 : i32
        %dma_wait3A_158 = arith.constant 0 : i32
        %dma_wait3A_159 = tpu.memref_slice %arg12[%select_n3A_95, %dma_wait3A_157, %dma_wait3A_158] : memref<3x64x128xf32, #tpu.memory_space<vmem>> -> memref<1x64x128xf32, #tpu.memory_space<vmem>>
        %dma_wait3A_160 = tpu.memref_squeeze %dma_wait3A_159 : memref<1x64x128xf32, #tpu.memory_space<vmem>> -> memref<64x128xf32, #tpu.memory_space<vmem>>
        %dma_wait3A_161 = arith.constant 0 : i32
        %dma_wait3A_162 = tpu.memref_slice %arg8[%select_n3A_113, %dma_wait3A_161] : memref<4x64xi32, #tpu.memory_space<vmem>> -> memref<1x64xi32, #tpu.memory_space<vmem>>
        %dma_wait3A_163 = tpu.memref_squeeze %dma_wait3A_162 : memref<1x64xi32, #tpu.memory_space<vmem>> -> memref<64xi32, #tpu.memory_space<vmem>>
        %dma_wait3A_164 = arith.constant 0 : i32
        %dma_wait3A_165 = arith.constant 0 : i32
        %dma_wait3A_166 = tpu.memref_slice %arg3[%dma_wait3A_164, %dma_wait3A_165] : memref<10240x128xf32, #tpu.memory_space<hbm>> -> memref<10240x128xf32, #tpu.memory_space<hbm>>
        %dma_wait3A_167 = tpu.memref_slice %arg17[%dma_wait3A_156, %select_n3A_95] : memref<2x3x!tpu.dma_semaphore, #tpu.memory_space<semaphore_mem>> -> memref<1x1x!tpu.dma_semaphore, #tpu.memory_space<semaphore_mem>>
        %dma_wait3A_168 = tpu.memref_squeeze %dma_wait3A_167 : memref<1x1x!tpu.dma_semaphore, #tpu.memory_space<semaphore_mem>> -> memref<!tpu.dma_semaphore, #tpu.memory_space<semaphore_mem>>
        tpu.wait_indirect_dma semaphore(%dma_wait3A_168 : memref<!tpu.dma_semaphore, #tpu.memory_space<semaphore_mem>>) src(%dma_wait3A_166 : memref<10240x128xf32, #tpu.memory_space<hbm>>) dst(%dma_wait3A_160 : memref<64x128xf32, #tpu.memory_space<vmem>>)
        %parallel_loop3A_169 = arith.constant 0 : i32
        %parallel_loop3A_170 = arith.constant 64 : i32
        %parallel_loop3A_171 = arith.constant 1 : i32
        scf.for %parallel_loop3A_184 = %parallel_loop3A_169 to %parallel_loop3A_170 step %parallel_loop3A_171  : i32 {
          %parallel_loop3A_185 = arith.index_cast %select_n3A_95 : i32 to index
          %parallel_loop3A_186 = arith.index_cast %parallel_loop3A_184 : i32 to index
          %parallel_loop3A_187 = arith.constant 0 : index
          %parallel_loop3A_188 = tpu.vector_load %arg11[%parallel_loop3A_185, %parallel_loop3A_186, %parallel_loop3A_187] {strides = array<i32>} : memref<3x64x128xf32, #tpu.memory_space<vmem>>, vector<16xf32>,
          %parallel_loop3A_189 = arith.index_cast %select_n3A_95 : i32 to index
          %parallel_loop3A_190 = arith.index_cast %parallel_loop3A_184 : i32 to index
          %parallel_loop3A_191 = arith.constant 0 : index
          %parallel_loop3A_192 = tpu.vector_load %arg12[%parallel_loop3A_189, %parallel_loop3A_190, %parallel_loop3A_191] {strides = array<i32>} : memref<3x64x128xf32, #tpu.memory_space<vmem>>, vector<16xf32>,
          %parallel_loop3A_193 = arith.addf %parallel_loop3A_188, %parallel_loop3A_192 : vector<16xf32>
          %parallel_loop3A_194 = arith.constant 0.000000e+00 : f32
          %parallel_loop3A_195 = vector.broadcast %parallel_loop3A_194 : f32 to vector<16xf32>
          %parallel_loop3A_196 = arith.maximumf %parallel_loop3A_193, %parallel_loop3A_195 : vector<16xf32>
          %parallel_loop3A_197 = arith.index_cast %select_n3A_131 : i32 to index
          %parallel_loop3A_198 = arith.index_cast %parallel_loop3A_184 : i32 to index
          %parallel_loop3A_199 = arith.constant 0 : index
          %parallel_loop3A_200 = tpu.vector_load %arg13[%parallel_loop3A_197, %parallel_loop3A_198, %parallel_loop3A_199] {strides = array<i32>} : memref<2x64x128xf32, #tpu.memory_space<vmem>>, vector<16xf32>,
          tpu.vector_store %arg13[%parallel_loop3A_197, %parallel_loop3A_198, %parallel_loop3A_199], %parallel_loop3A_196 {strides = array<i32>} : memref<2x64x128xf32, #tpu.memory_space<vmem>>, vector<16xf32>,
          %parallel_loop3A_201 = arith.index_cast %select_n3A_95 : i32 to index
          %parallel_loop3A_202 = arith.index_cast %parallel_loop3A_184 : i32 to index
          %parallel_loop3A_203 = arith.constant 16 : index
          %parallel_loop3A_204 = tpu.vector_load %arg11[%parallel_loop3A_201, %parallel_loop3A_202, %parallel_loop3A_203] {strides = array<i32>} : memref<3x64x128xf32, #tpu.memory_space<vmem>>, vector<16xf32>,
          %parallel_loop3A_205 = arith.index_cast %select_n3A_95 : i32 to index
          %parallel_loop3A_206 = arith.index_cast %parallel_loop3A_184 : i32 to index
          %parallel_loop3A_207 = arith.constant 16 : index
          %parallel_loop3A_208 = tpu.vector_load %arg12[%parallel_loop3A_205, %parallel_loop3A_206, %parallel_loop3A_207] {strides = array<i32>} : memref<3x64x128xf32, #tpu.memory_space<vmem>>, vector<16xf32>,
          %parallel_loop3A_209 = arith.addf %parallel_loop3A_204, %parallel_loop3A_208 : vector<16xf32>
          %parallel_loop3A_210 = arith.constant 0.000000e+00 : f32
          %parallel_loop3A_211 = vector.broadcast %parallel_loop3A_210 : f32 to vector<16xf32>
          %parallel_loop3A_212 = arith.maximumf %parallel_loop3A_209, %parallel_loop3A_211 : vector<16xf32>
          %parallel_loop3A_213 = arith.index_cast %select_n3A_131 : i32 to index
          %parallel_loop3A_214 = arith.index_cast %parallel_loop3A_184 : i32 to index
          %parallel_loop3A_215 = arith.constant 16 : index
          %parallel_loop3A_216 = tpu.vector_load %arg13[%parallel_loop3A_213, %parallel_loop3A_214, %parallel_loop3A_215] {strides = array<i32>} : memref<2x64x128xf32, #tpu.memory_space<vmem>>, vector<16xf32>,
          tpu.vector_store %arg13[%parallel_loop3A_213, %parallel_loop3A_214, %parallel_loop3A_215], %parallel_loop3A_212 {strides = array<i32>} : memref<2x64x128xf32, #tpu.memory_space<vmem>>, vector<16xf32>,
          %parallel_loop3A_217 = arith.index_cast %select_n3A_95 : i32 to index
          %parallel_loop3A_218 = arith.index_cast %parallel_loop3A_184 : i32 to index
          %parallel_loop3A_219 = arith.constant 32 : index
          %parallel_loop3A_220 = tpu.vector_load %arg11[%parallel_loop3A_217, %parallel_loop3A_218, %parallel_loop3A_219] {strides = array<i32>} : memref<3x64x128xf32, #tpu.memory_space<vmem>>, vector<16xf32>,
          %parallel_loop3A_221 = arith.index_cast %select_n3A_95 : i32 to index
          %parallel_loop3A_222 = arith.index_cast %parallel_loop3A_184 : i32 to index
          %parallel_loop3A_223 = arith.constant 32 : index
          %parallel_loop3A_224 = tpu.vector_load %arg12[%parallel_loop3A_221, %parallel_loop3A_222, %parallel_loop3A_223] {strides = array<i32>} : memref<3x64x128xf32, #tpu.memory_space<vmem>>, vector<16xf32>,
          %parallel_loop3A_225 = arith.addf %parallel_loop3A_220, %parallel_loop3A_224 : vector<16xf32>
          %parallel_loop3A_226 = arith.constant 0.000000e+00 : f32
          %parallel_loop3A_227 = vector.broadcast %parallel_loop3A_226 : f32 to vector<16xf32>
          %parallel_loop3A_228 = arith.maximumf %parallel_loop3A_225, %parallel_loop3A_227 : vector<16xf32>
          %parallel_loop3A_229 = arith.index_cast %select_n3A_131 : i32 to index
          %parallel_loop3A_230 = arith.index_cast %parallel_loop3A_184 : i32 to index
          %parallel_loop3A_231 = arith.constant 32 : index
          %parallel_loop3A_232 = tpu.vector_load %arg13[%parallel_loop3A_229, %parallel_loop3A_230, %parallel_loop3A_231] {strides = array<i32>} : memref<2x64x128xf32, #tpu.memory_space<vmem>>, vector<16xf32>,
          tpu.vector_store %arg13[%parallel_loop3A_229, %parallel_loop3A_230, %parallel_loop3A_231], %parallel_loop3A_228 {strides = array<i32>} : memref<2x64x128xf32, #tpu.memory_space<vmem>>, vector<16xf32>,
          %parallel_loop3A_233 = arith.index_cast %select_n3A_95 : i32 to index
          %parallel_loop3A_234 = arith.index_cast %parallel_loop3A_184 : i32 to index
          %parallel_loop3A_235 = arith.constant 48 : index
          %parallel_loop3A_236 = tpu.vector_load %arg11[%parallel_loop3A_233, %parallel_loop3A_234, %parallel_loop3A_235] {strides = array<i32>} : memref<3x64x128xf32, #tpu.memory_space<vmem>>, vector<16xf32>,
          %parallel_loop3A_237 = arith.index_cast %select_n3A_95 : i32 to index
          %parallel_loop3A_238 = arith.index_cast %parallel_loop3A_184 : i32 to index
          %parallel_loop3A_239 = arith.constant 48 : index
          %parallel_loop3A_240 = tpu.vector_load %arg12[%parallel_loop3A_237, %parallel_loop3A_238, %parallel_loop3A_239] {strides = array<i32>} : memref<3x64x128xf32, #tpu.memory_space<vmem>>, vector<16xf32>,
          %parallel_loop3A_241 = arith.addf %parallel_loop3A_236, %parallel_loop3A_240 : vector<16xf32>
          %parallel_loop3A_242 = arith.constant 0.000000e+00 : f32
          %parallel_loop3A_243 = vector.broadcast %parallel_loop3A_242 : f32 to vector<16xf32>
          %parallel_loop3A_244 = arith.maximumf %parallel_loop3A_241, %parallel_loop3A_243 : vector<16xf32>
          %parallel_loop3A_245 = arith.index_cast %select_n3A_131 : i32 to index
          %parallel_loop3A_246 = arith.index_cast %parallel_loop3A_184 : i32 to index
          %parallel_loop3A_247 = arith.constant 48 : index
          %parallel_loop3A_248 = tpu.vector_load %arg13[%parallel_loop3A_245, %parallel_loop3A_246, %parallel_loop3A_247] {strides = array<i32>} : memref<2x64x128xf32, #tpu.memory_space<vmem>>, vector<16xf32>,
          tpu.vector_store %arg13[%parallel_loop3A_245, %parallel_loop3A_246, %parallel_loop3A_247], %parallel_loop3A_244 {strides = array<i32>} : memref<2x64x128xf32, #tpu.memory_space<vmem>>, vector<16xf32>,
          %parallel_loop3A_249 = arith.index_cast %select_n3A_95 : i32 to index
          %parallel_loop3A_250 = arith.index_cast %parallel_loop3A_184 : i32 to index
          %parallel_loop3A_251 = arith.constant 64 : index
          %parallel_loop3A_252 = tpu.vector_load %arg11[%parallel_loop3A_249, %parallel_loop3A_250, %parallel_loop3A_251] {strides = array<i32>} : memref<3x64x128xf32, #tpu.memory_space<vmem>>, vector<16xf32>,
          %parallel_loop3A_253 = arith.index_cast %select_n3A_95 : i32 to index
          %parallel_loop3A_254 = arith.index_cast %parallel_loop3A_184 : i32 to index
          %parallel_loop3A_255 = arith.constant 64 : index
          %parallel_loop3A_256 = tpu.vector_load %arg12[%parallel_loop3A_253, %parallel_loop3A_254, %parallel_loop3A_255] {strides = array<i32>} : memref<3x64x128xf32, #tpu.memory_space<vmem>>, vector<16xf32>,
          %parallel_loop3A_257 = arith.addf %parallel_loop3A_252, %parallel_loop3A_256 : vector<16xf32>
          %parallel_loop3A_258 = arith.constant 0.000000e+00 : f32
          %parallel_loop3A_259 = vector.broadcast %parallel_loop3A_258 : f32 to vector<16xf32>
          %parallel_loop3A_260 = arith.maximumf %parallel_loop3A_257, %parallel_loop3A_259 : vector<16xf32>
          %parallel_loop3A_261 = arith.index_cast %select_n3A_131 : i32 to index
          %parallel_loop3A_262 = arith.index_cast %parallel_loop3A_184 : i32 to index
          %parallel_loop3A_263 = arith.constant 64 : index
          %parallel_loop3A_264 = tpu.vector_load %arg13[%parallel_loop3A_261, %parallel_loop3A_262, %parallel_loop3A_263] {strides = array<i32>} : memref<2x64x128xf32, #tpu.memory_space<vmem>>, vector<16xf32>,
          tpu.vector_store %arg13[%parallel_loop3A_261, %parallel_loop3A_262, %parallel_loop3A_263], %parallel_loop3A_260 {strides = array<i32>} : memref<2x64x128xf32, #tpu.memory_space<vmem>>, vector<16xf32>,
          %parallel_loop3A_265 = arith.index_cast %select_n3A_95 : i32 to index
          %parallel_loop3A_266 = arith.index_cast %parallel_loop3A_184 : i32 to index
          %parallel_loop3A_267 = arith.constant 80 : index
          %parallel_loop3A_268 = tpu.vector_load %arg11[%parallel_loop3A_265, %parallel_loop3A_266, %parallel_loop3A_267] {strides = array<i32>} : memref<3x64x128xf32, #tpu.memory_space<vmem>>, vector<16xf32>,
          %parallel_loop3A_269 = arith.index_cast %select_n3A_95 : i32 to index
          %parallel_loop3A_270 = arith.index_cast %parallel_loop3A_184 : i32 to index
          %parallel_loop3A_271 = arith.constant 80 : index
          %parallel_loop3A_272 = tpu.vector_load %arg12[%parallel_loop3A_269, %parallel_loop3A_270, %parallel_loop3A_271] {strides = array<i32>} : memref<3x64x128xf32, #tpu.memory_space<vmem>>, vector<16xf32>,
          %parallel_loop3A_273 = arith.addf %parallel_loop3A_268, %parallel_loop3A_272 : vector<16xf32>
          %parallel_loop3A_274 = arith.constant 0.000000e+00 : f32
          %parallel_loop3A_275 = vector.broadcast %parallel_loop3A_274 : f32 to vector<16xf32>
          %parallel_loop3A_276 = arith.maximumf %parallel_loop3A_273, %parallel_loop3A_275 : vector<16xf32>
          %parallel_loop3A_277 = arith.index_cast %select_n3A_131 : i32 to index
          %parallel_loop3A_278 = arith.index_cast %parallel_loop3A_184 : i32 to index
          %parallel_loop3A_279 = arith.constant 80 : index
          %parallel_loop3A_280 = tpu.vector_load %arg13[%parallel_loop3A_277, %parallel_loop3A_278, %parallel_loop3A_279] {strides = array<i32>} : memref<2x64x128xf32, #tpu.memory_space<vmem>>, vector<16xf32>,
          tpu.vector_store %arg13[%parallel_loop3A_277, %parallel_loop3A_278, %parallel_loop3A_279], %parallel_loop3A_276 {strides = array<i32>} : memref<2x64x128xf32, #tpu.memory_space<vmem>>, vector<16xf32>,
          %parallel_loop3A_281 = arith.index_cast %select_n3A_95 : i32 to index
          %parallel_loop3A_282 = arith.index_cast %parallel_loop3A_184 : i32 to index
          %parallel_loop3A_283 = arith.constant 96 : index
          %parallel_loop3A_284 = tpu.vector_load %arg11[%parallel_loop3A_281, %parallel_loop3A_282, %parallel_loop3A_283] {strides = array<i32>} : memref<3x64x128xf32, #tpu.memory_space<vmem>>, vector<16xf32>,
          %parallel_loop3A_285 = arith.index_cast %select_n3A_95 : i32 to index
          %parallel_loop3A_286 = arith.index_cast %parallel_loop3A_184 : i32 to index
          %parallel_loop3A_287 = arith.constant 96 : index
          %parallel_loop3A_288 = tpu.vector_load %arg12[%parallel_loop3A_285, %parallel_loop3A_286, %parallel_loop3A_287] {strides = array<i32>} : memref<3x64x128xf32, #tpu.memory_space<vmem>>, vector<16xf32>,
          %parallel_loop3A_289 = arith.addf %parallel_loop3A_284, %parallel_loop3A_288 : vector<16xf32>
          %parallel_loop3A_290 = arith.constant 0.000000e+00 : f32
          %parallel_loop3A_291 = vector.broadcast %parallel_loop3A_290 : f32 to vector<16xf32>
          %parallel_loop3A_292 = arith.maximumf %parallel_loop3A_289, %parallel_loop3A_291 : vector<16xf32>
          %parallel_loop3A_293 = arith.index_cast %select_n3A_131 : i32 to index
          %parallel_loop3A_294 = arith.index_cast %parallel_loop3A_184 : i32 to index
          %parallel_loop3A_295 = arith.constant 96 : index
          %parallel_loop3A_296 = tpu.vector_load %arg13[%parallel_loop3A_293, %parallel_loop3A_294, %parallel_loop3A_295] {strides = array<i32>} : memref<2x64x128xf32, #tpu.memory_space<vmem>>, vector<16xf32>,
          tpu.vector_store %arg13[%parallel_loop3A_293, %parallel_loop3A_294, %parallel_loop3A_295], %parallel_loop3A_292 {strides = array<i32>} : memref<2x64x128xf32, #tpu.memory_space<vmem>>, vector<16xf32>,
          %parallel_loop3A_297 = arith.index_cast %select_n3A_95 : i32 to index
          %parallel_loop3A_298 = arith.index_cast %parallel_loop3A_184 : i32 to index
          %parallel_loop3A_299 = arith.constant 112 : index
          %parallel_loop3A_300 = tpu.vector_load %arg11[%parallel_loop3A_297, %parallel_loop3A_298, %parallel_loop3A_299] {strides = array<i32>} : memref<3x64x128xf32, #tpu.memory_space<vmem>>, vector<16xf32>,
          %parallel_loop3A_301 = arith.index_cast %select_n3A_95 : i32 to index
          %parallel_loop3A_302 = arith.index_cast %parallel_loop3A_184 : i32 to index
          %parallel_loop3A_303 = arith.constant 112 : index
          %parallel_loop3A_304 = tpu.vector_load %arg12[%parallel_loop3A_301, %parallel_loop3A_302, %parallel_loop3A_303] {strides = array<i32>} : memref<3x64x128xf32, #tpu.memory_space<vmem>>, vector<16xf32>,
          %parallel_loop3A_305 = arith.addf %parallel_loop3A_300, %parallel_loop3A_304 : vector<16xf32>
          %parallel_loop3A_306 = arith.constant 0.000000e+00 : f32
          %parallel_loop3A_307 = vector.broadcast %parallel_loop3A_306 : f32 to vector<16xf32>
          %parallel_loop3A_308 = arith.maximumf %parallel_loop3A_305, %parallel_loop3A_307 : vector<16xf32>
          %parallel_loop3A_309 = arith.index_cast %select_n3A_131 : i32 to index
          %parallel_loop3A_310 = arith.index_cast %parallel_loop3A_184 : i32 to index
          %parallel_loop3A_311 = arith.constant 112 : index
          %parallel_loop3A_312 = tpu.vector_load %arg13[%parallel_loop3A_309, %parallel_loop3A_310, %parallel_loop3A_311] {strides = array<i32>} : memref<2x64x128xf32, #tpu.memory_space<vmem>>, vector<16xf32>,
          tpu.vector_store %arg13[%parallel_loop3A_309, %parallel_loop3A_310, %parallel_loop3A_311], %parallel_loop3A_308 {strides = array<i32>} : memref<2x64x128xf32, #tpu.memory_space<vmem>>, vector<16xf32>,
        } {sc.loop_unroll_factor = 4 : i64, sc.parallel_access}
        %dma_start3A_172 = arith.constant 0 : i32
        %dma_start3A_173 = arith.constant 0 : i32
        %dma_start3A_174 = tpu.memref_slice %arg13[%select_n3A_131, %dma_start3A_172, %dma_start3A_173] : memref<2x64x128xf32, #tpu.memory_space<vmem>> -> memref<1x64x128xf32, #tpu.memory_space<vmem>>
        %dma_start3A_175 = tpu.memref_squeeze %dma_start3A_174 : memref<1x64x128xf32, #tpu.memory_space<vmem>> -> memref<64x128xf32, #tpu.memory_space<vmem>>
        %dma_start3A_176 = arith.constant 0 : i32
        %dma_start3A_177 = tpu.memref_slice %arg10[%select_n3A_131, %dma_start3A_176] : memref<2x64xi32, #tpu.memory_space<vmem>> -> memref<1x64xi32, #tpu.memory_space<vmem>>
        %dma_start3A_178 = tpu.memref_squeeze %dma_start3A_177 : memref<1x64xi32, #tpu.memory_space<vmem>> -> memref<64xi32, #tpu.memory_space<vmem>>
        %dma_start3A_179 = arith.constant 0 : i32
        %dma_start3A_180 = arith.constant 0 : i32
        %dma_start3A_181 = tpu.memref_slice %arg16[%dma_start3A_179, %dma_start3A_180] : memref<5216x128xf32, #tpu.memory_space<vmem_shared>> -> memref<5216x128xf32, #tpu.memory_space<vmem_shared>>
        %dma_start3A_182 = tpu.memref_slice %arg19[%select_n3A_131] : memref<2x!tpu.dma_semaphore, #tpu.memory_space<semaphore_mem>> -> memref<1x!tpu.dma_semaphore, #tpu.memory_space<semaphore_mem>>
        %dma_start3A_183 = tpu.memref_squeeze %dma_start3A_182 : memref<1x!tpu.dma_semaphore, #tpu.memory_space<semaphore_mem>> -> memref<!tpu.dma_semaphore, #tpu.memory_space<semaphore_mem>>
        tpu.enqueue_indirect_dma source(%dma_start3A_175 : memref<64x128xf32, #tpu.memory_space<vmem>>) target(%dma_start3A_181 : memref<5216x128xf32, #tpu.memory_space<vmem_shared>>) offsets(%dma_start3A_178 : memref<64xi32, #tpu.memory_space<vmem>>) semaphore(%dma_start3A_183 : memref<!tpu.dma_semaphore, #tpu.memory_space<semaphore_mem>>) {add = true}
      } else {
      }
    }
    %scan3A_65 = arith.constant 318 : i32
    %scan3A_66 = arith.constant 0 : i32
    %scan3A_67 = arith.constant 0 : i32
    %scan3A_68 = arith.constant 2 : i32
    %scan3A_69 = arith.addi %scan3A_67, %scan3A_68 : i32
    %scan3A_70 = arith.constant 1 : i32
    scf.for %scan3A_77 = %scan3A_67 to %scan3A_69 step %scan3A_70  : i32 {
      %add3A_78 = arith.constant 316 : i32
      %add3A_79 = arith.addi %add3A_78, %scan3A_77 : i32
      %jit3A = arith.constant 2 : i32
      %eq3A = arith.constant 0 : i32
      %eq3A_80 = arith.cmpi eq, %jit3A, %eq3A : i32
      %jit3A_81 = arith.constant 1 : i32
      %select_n3A = arith.select %eq3A_80, %jit3A_81, %jit3A : i32
      %rem3A = arith.remsi %add3A_79, %select_n3A : i32
      %ne3A = arith.constant 0 : i32
      %ne3A_82 = arith.cmpi ne, %rem3A, %ne3A : i32
      %lt3A = arith.constant 0 : i32
      %lt3A_83 = arith.cmpi slt, %rem3A, %lt3A : i32
      %lt3A_84 = arith.constant 0 : i32
      %lt3A_85 = arith.cmpi slt, %select_n3A, %lt3A_84 : i32
      %ne3A_86 = arith.xori %lt3A_83, %lt3A_85 : i1
      %and3A = arith.andi %ne3A_86, %ne3A_82 : i1
      %add3A_87 = arith.addi %rem3A, %select_n3A : i32
      %select_n3A_88 = arith.select %and3A, %add3A_87, %rem3A : i32
      %dma_wait3A = arith.constant 0 : i32
      %dma_wait3A_89 = arith.constant 0 : i32
      %dma_wait3A_90 = tpu.memref_slice %arg13[%select_n3A_88, %dma_wait3A, %dma_wait3A_89] : memref<2x64x128xf32, #tpu.memory_space<vmem>> -> memref<1x64x128xf32, #tpu.memory_space<vmem>>
      %dma_wait3A_91 = tpu.memref_squeeze %dma_wait3A_90 : memref<1x64x128xf32, #tpu.memory_space<vmem>> -> memref<64x128xf32, #tpu.memory_space<vmem>>
      %dma_wait3A_92 = arith.constant 0 : i32
      %dma_wait3A_93 = tpu.memref_slice %arg10[%select_n3A_88, %dma_wait3A_92] : memref<2x64xi32, #tpu.memory_space<vmem>> -> memref<1x64xi32, #tpu.memory_space<vmem>>
      %dma_wait3A_94 = tpu.memref_squeeze %dma_wait3A_93 : memref<1x64xi32, #tpu.memory_space<vmem>> -> memref<64xi32, #tpu.memory_space<vmem>>
      %dma_wait3A_95 = arith.constant 0 : i32
      %dma_wait3A_96 = arith.constant 0 : i32
      %dma_wait3A_97 = tpu.memref_slice %arg16[%dma_wait3A_95, %dma_wait3A_96] : memref<5216x128xf32, #tpu.memory_space<vmem_shared>> -> memref<5216x128xf32, #tpu.memory_space<vmem_shared>>
      %dma_wait3A_98 = tpu.memref_slice %arg19[%select_n3A_88] : memref<2x!tpu.dma_semaphore, #tpu.memory_space<semaphore_mem>> -> memref<1x!tpu.dma_semaphore, #tpu.memory_space<semaphore_mem>>
      %dma_wait3A_99 = tpu.memref_squeeze %dma_wait3A_98 : memref<1x!tpu.dma_semaphore, #tpu.memory_space<semaphore_mem>> -> memref<!tpu.dma_semaphore, #tpu.memory_space<semaphore_mem>>
      tpu.wait_indirect_dma semaphore(%dma_wait3A_99 : memref<!tpu.dma_semaphore, #tpu.memory_space<semaphore_mem>>) src(%dma_wait3A_91 : memref<64x128xf32, #tpu.memory_space<vmem>>) dst(%dma_wait3A_97 : memref<5216x128xf32, #tpu.memory_space<vmem_shared>>)
    }
    %scan3A_71 = arith.constant 2 : i32
    %barrier3A_72 = arith.constant 0 : index
    tpu.barrier barrier_id(%barrier3A_72)
    %mul3A_73 = arith.constant 320 : i32
    %mul3A_74 = arith.muli %arg1, %mul3A_73 : i32
    %mul3A_75 = arith.constant 320 : i32
    %mul3A_76 = arith.muli %arg1, %mul3A_75 : i32
    "tpu.region"() ({
      %run_scoped3A = tpu.sem_alloc : memref<!tpu.dma_semaphore, #tpu.memory_space<semaphore_mem>>
      %dma_start3A_77 = arith.constant 0 : i32
      %dma_start3A_78 = tpu.memref_slice %arg6[%arg0, %mul3A_76, %dma_start3A_77] : memref<2x5120x128xf32, #tpu.memory_space<hbm>> -> memref<1x320x128xf32, #tpu.memory_space<hbm>>
      %dma_start3A_79 = tpu.memref_squeeze %dma_start3A_78 : memref<1x320x128xf32, #tpu.memory_space<hbm>> -> memref<320x128xf32, #tpu.memory_space<hbm>>
      %dma_start3A_80 = arith.constant 0 : i32
      %dma_start3A_81 = tpu.memref_slice %arg16[%mul3A_74, %dma_start3A_80] : memref<5216x128xf32, #tpu.memory_space<vmem_shared>> -> memref<320x128xf32, #tpu.memory_space<vmem_shared>>
      tpu.enqueue_dma source(%dma_start3A_81 : memref<320x128xf32, #tpu.memory_space<vmem_shared>>) target(%dma_start3A_79 : memref<320x128xf32, #tpu.memory_space<hbm>>) target_semaphore(%run_scoped3A : memref<!tpu.dma_semaphore, #tpu.memory_space<semaphore_mem>>)
      %dma_wait3A = arith.constant 0 : i32
      %dma_wait3A_82 = tpu.memref_slice %arg6[%arg0, %mul3A_76, %dma_wait3A] : memref<2x5120x128xf32, #tpu.memory_space<hbm>> -> memref<1x320x128xf32, #tpu.memory_space<hbm>>
      %dma_wait3A_83 = tpu.memref_squeeze %dma_wait3A_82 : memref<1x320x128xf32, #tpu.memory_space<hbm>> -> memref<320x128xf32, #tpu.memory_space<hbm>>
      %dma_wait3A_84 = arith.constant 0 : i32
      %dma_wait3A_85 = tpu.memref_slice %arg16[%mul3A_74, %dma_wait3A_84] : memref<5216x128xf32, #tpu.memory_space<vmem_shared>> -> memref<320x128xf32, #tpu.memory_space<vmem_shared>>
      tpu.wait_dma2 semaphore(%run_scoped3A : memref<!tpu.dma_semaphore, #tpu.memory_space<semaphore_mem>>) src(%dma_wait3A_85 : memref<320x128xf32, #tpu.memory_space<vmem_shared>>) dst(%dma_wait3A_83 : memref<320x128xf32, #tpu.memory_space<hbm>>)
      tpu.yield
    }) : () -> ()
    "tpu.region"() ({
      %run_scoped3A = tpu.sem_alloc : memref<!tpu.dma_semaphore, #tpu.memory_space<semaphore_mem>>
      %dma_start3A_77 = arith.constant 0 : i32
      %dma_start3A_78 = tpu.memref_slice %arg7[%arg1, %dma_start3A_77] : memref<16x10240xf32, #tpu.memory_space<hbm>> -> memref<1x10240xf32, #tpu.memory_space<hbm>>
      %dma_start3A_79 = tpu.memref_squeeze %dma_start3A_78 : memref<1x10240xf32, #tpu.memory_space<hbm>> -> memref<10240xf32, #tpu.memory_space<hbm>>
      %dma_start3A_80 = arith.constant 0 : i32
      %dma_start3A_81 = tpu.memref_slice %arg7[%arg1, %dma_start3A_80] : memref<16x10240xf32, #tpu.memory_space<hbm>> -> memref<1x10240xf32, #tpu.memory_space<hbm>>
      %dma_start3A_82 = tpu.memref_squeeze %dma_start3A_81 : memref<1x10240xf32, #tpu.memory_space<hbm>> -> memref<10240xf32, #tpu.memory_space<hbm>>
      tpu.enqueue_dma source(%arg15 : memref<10240xf32, #tpu.memory_space<vmem>>) target(%dma_start3A_82 : memref<10240xf32, #tpu.memory_space<hbm>>) target_semaphore(%run_scoped3A : memref<!tpu.dma_semaphore, #tpu.memory_space<semaphore_mem>>)
      %dma_wait3A = arith.constant 0 : i32
      %dma_wait3A_83 = tpu.memref_slice %arg7[%arg1, %dma_wait3A] : memref<16x10240xf32, #tpu.memory_space<hbm>> -> memref<1x10240xf32, #tpu.memory_space<hbm>>
      %dma_wait3A_84 = tpu.memref_squeeze %dma_wait3A_83 : memref<1x10240xf32, #tpu.memory_space<hbm>> -> memref<10240xf32, #tpu.memory_space<hbm>>
      %dma_wait3A_85 = arith.constant 0 : i32
      %dma_wait3A_86 = tpu.memref_slice %arg7[%arg1, %dma_wait3A_85] : memref<16x10240xf32, #tpu.memory_space<hbm>> -> memref<1x10240xf32, #tpu.memory_space<hbm>>
      %dma_wait3A_87 = tpu.memref_squeeze %dma_wait3A_86 : memref<1x10240xf32, #tpu.memory_space<hbm>> -> memref<10240xf32, #tpu.memory_space<hbm>>
      tpu.wait_dma2 semaphore(%run_scoped3A : memref<!tpu.dma_semaphore, #tpu.memory_space<semaphore_mem>>) src(%arg15 : memref<10240xf32, #tpu.memory_space<vmem>>) dst(%dma_wait3A_87 : memref<10240xf32, #tpu.memory_space<hbm>>)
      tpu.yield
    }) : () -> ()
    return
  }
}

module attributes {stable_mosaic.version = 14 : i64} {
  func.func @_pre_body(%arg0: i32, %arg1: memref<2048x128xf32, #tpu.memory_space<vmem>>, %arg2: memref<128x128xf32, #tpu.memory_space<vmem>>, %arg3: memref<1x128xf32, #tpu.memory_space<vmem>>, %arg4: memref<128x128xf32, #tpu.memory_space<vmem>>, %arg5: memref<1x128xf32, #tpu.memory_space<vmem>>, %arg6: memref<128x128xf32, #tpu.memory_space<vmem>>, %arg7: memref<128x128xf32, #tpu.memory_space<vmem>>, %arg8: memref<1x128xf32, #tpu.memory_space<vmem>>, %arg9: memref<2048x128xf32, #tpu.memory_space<vmem>>, %arg10: memref<2048x128xf32, #tpu.memory_space<vmem>>, %arg11: memref<2048x128xf32, #tpu.memory_space<vmem>>) attributes {dimension_semantics = [#tpu.dimension_semantics<arbitrary>], iteration_bounds = array<i64: 5>, scalar_prefetch = 0 : i64, scratch_operands = 0 : i64, tpu.core_type = #tpu.core_type<tc>, window_params = [{transform_indices = @transform_0, window_bounds = array<i64: 2048, 128>}, {pipeline_mode = #tpu.pipeline_mode<synchronous>, transform_indices = @transform_1, window_bounds = array<i64: 128, 128>}, {pipeline_mode = #tpu.pipeline_mode<synchronous>, transform_indices = @transform_2, window_bounds = array<i64: 1, 128>}, {pipeline_mode = #tpu.pipeline_mode<synchronous>, transform_indices = @transform_3, window_bounds = array<i64: 128, 128>}, {pipeline_mode = #tpu.pipeline_mode<synchronous>, transform_indices = @transform_4, window_bounds = array<i64: 1, 128>}, {pipeline_mode = #tpu.pipeline_mode<synchronous>, transform_indices = @transform_5, window_bounds = array<i64: 128, 128>}, {pipeline_mode = #tpu.pipeline_mode<synchronous>, transform_indices = @transform_6, window_bounds = array<i64: 128, 128>}, {pipeline_mode = #tpu.pipeline_mode<synchronous>, transform_indices = @transform_7, window_bounds = array<i64: 1, 128>}, {transform_indices = @transform_8, window_bounds = array<i64: 2048, 128>}, {transform_indices = @transform_9, window_bounds = array<i64: 2048, 128>}, {transform_indices = @transform_10, window_bounds = array<i64: 2048, 128>}]} {
    %get3A = arith.constant 0 : index
    %get3A_0 = arith.constant 0 : index
    %get3A_1 = vector.load %arg1[%get3A, %get3A_0] : memref<2048x128xf32, #tpu.memory_space<vmem>>, vector<2048x128xf32>
    %get3A_2 = arith.constant 0 : index
    %get3A_3 = arith.constant 0 : index
    %get3A_4 = vector.load %arg2[%get3A_2, %get3A_3] : memref<128x128xf32, #tpu.memory_space<vmem>>, vector<128x128xf32>
    %dot_general3A = arith.constant dense<0.000000e+00> : vector<2048x128xf32>
    %dot_general3A_5 = tpu.matmul %get3A_1, %get3A_4, %dot_general3A {dimension_numbers = #tpu.dot_dimension_numbers<[1], [0], [0], [1], [0, 0, 1, 1], [], []>, transpose_lhs_hint = false} : vector<2048x128xf32>, vector<128x128xf32>, vector<2048x128xf32> -> vector<2048x128xf32>
    %get3A_6 = arith.constant 0 : index
    %get3A_7 = arith.constant 0 : index
    %get3A_8 = vector.load %arg3[%get3A_6, %get3A_7] : memref<1x128xf32, #tpu.memory_space<vmem>>, vector<1x128xf32>
    %add3A = vector.broadcast %get3A_8 : vector<1x128xf32> to vector<2048x128xf32>
    %add3A_9 = arith.addf %dot_general3A_5, %add3A : vector<2048x128xf32>
    %max3A = arith.constant 0.000000e+00 : f32
    %max3A_10 = vector.broadcast %max3A : f32 to vector<2048x128xf32>
    %max3A_11 = arith.maximumf %add3A_9, %max3A_10 : vector<2048x128xf32>
    %get3A_12 = arith.constant 0 : index
    %get3A_13 = arith.constant 0 : index
    %get3A_14 = vector.load %arg4[%get3A_12, %get3A_13] : memref<128x128xf32, #tpu.memory_space<vmem>>, vector<128x128xf32>
    %dot_general3A_15 = arith.constant dense<0.000000e+00> : vector<2048x128xf32>
    %dot_general3A_16 = tpu.matmul %max3A_11, %get3A_14, %dot_general3A_15 {dimension_numbers = #tpu.dot_dimension_numbers<[1], [0], [0], [1], [0, 0, 1, 1], [], []>, transpose_lhs_hint = false} : vector<2048x128xf32>, vector<128x128xf32>, vector<2048x128xf32> -> vector<2048x128xf32>
    %get3A_17 = arith.constant 0 : index
    %get3A_18 = arith.constant 0 : index
    %get3A_19 = vector.load %arg5[%get3A_17, %get3A_18] : memref<1x128xf32, #tpu.memory_space<vmem>>, vector<1x128xf32>
    %add3A_20 = vector.broadcast %get3A_19 : vector<1x128xf32> to vector<2048x128xf32>
    %add3A_21 = arith.addf %dot_general3A_16, %add3A_20 : vector<2048x128xf32>
    %swap3A = arith.constant 0 : index
    %swap3A_22 = arith.constant 0 : index
    %swap3A_23 = vector.load %arg9[%swap3A, %swap3A_22] : memref<2048x128xf32, #tpu.memory_space<vmem>>, vector<2048x128xf32>
    tpu.vector_store %arg9[%swap3A, %swap3A_22], %add3A_21 {strides = array<i32>} : memref<2048x128xf32, #tpu.memory_space<vmem>>, vector<2048x128xf32>,
    %get3A_24 = arith.constant 0 : index
    %get3A_25 = arith.constant 0 : index
    %get3A_26 = vector.load %arg6[%get3A_24, %get3A_25] : memref<128x128xf32, #tpu.memory_space<vmem>>, vector<128x128xf32>
    %dot_general3A_27 = arith.constant dense<0.000000e+00> : vector<2048x128xf32>
    %dot_general3A_28 = tpu.matmul %add3A_21, %get3A_26, %dot_general3A_27 {dimension_numbers = #tpu.dot_dimension_numbers<[1], [0], [0], [1], [0, 0, 1, 1], [], []>, transpose_lhs_hint = false} : vector<2048x128xf32>, vector<128x128xf32>, vector<2048x128xf32> -> vector<2048x128xf32>
    %get3A_29 = arith.constant 0 : index
    %get3A_30 = arith.constant 0 : index
    %get3A_31 = vector.load %arg8[%get3A_29, %get3A_30] : memref<1x128xf32, #tpu.memory_space<vmem>>, vector<1x128xf32>
    %add3A_32 = vector.broadcast %get3A_31 : vector<1x128xf32> to vector<2048x128xf32>
    %add3A_33 = arith.addf %dot_general3A_28, %add3A_32 : vector<2048x128xf32>
    %swap3A_34 = arith.constant 0 : index
    %swap3A_35 = arith.constant 0 : index
    %swap3A_36 = vector.load %arg10[%swap3A_34, %swap3A_35] : memref<2048x128xf32, #tpu.memory_space<vmem>>, vector<2048x128xf32>
    tpu.vector_store %arg10[%swap3A_34, %swap3A_35], %add3A_33 {strides = array<i32>} : memref<2048x128xf32, #tpu.memory_space<vmem>>, vector<2048x128xf32>,
    %get3A_37 = arith.constant 0 : index
    %get3A_38 = arith.constant 0 : index
    %get3A_39 = vector.load %arg7[%get3A_37, %get3A_38] : memref<128x128xf32, #tpu.memory_space<vmem>>, vector<128x128xf32>
    %dot_general3A_40 = arith.constant dense<0.000000e+00> : vector<2048x128xf32>
    %dot_general3A_41 = tpu.matmul %add3A_21, %get3A_39, %dot_general3A_40 {dimension_numbers = #tpu.dot_dimension_numbers<[1], [0], [0], [1], [0, 0, 1, 1], [], []>, transpose_lhs_hint = false} : vector<2048x128xf32>, vector<128x128xf32>, vector<2048x128xf32> -> vector<2048x128xf32>
    %swap3A_42 = arith.constant 0 : index
    %swap3A_43 = arith.constant 0 : index
    %swap3A_44 = vector.load %arg11[%swap3A_42, %swap3A_43] : memref<2048x128xf32, #tpu.memory_space<vmem>>, vector<2048x128xf32>
    tpu.vector_store %arg11[%swap3A_42, %swap3A_43], %dot_general3A_41 {strides = array<i32>} : memref<2048x128xf32, #tpu.memory_space<vmem>>, vector<2048x128xf32>,
    return
  }
  func.func @transform_0(%arg0: i32) -> (i32, i32) {
    %c0_i32 = arith.constant 0 : i32
    %c0_i32_0 = arith.constant 0 : i32
    return %arg0, %c0_i32 : i32, i32
  }
  func.func @transform_1(%arg0: i32) -> (i32, i32) {
    %c0_i32 = arith.constant 0 : i32
    %c0_i32_0 = arith.constant 0 : i32
    %c0_i32_1 = arith.constant 0 : i32
    return %c0_i32, %c0_i32_0 : i32, i32
  }
  func.func @transform_2(%arg0: i32) -> (i32, i32) {
    %c0_i32 = arith.constant 0 : i32
    %c0_i32_0 = arith.constant 0 : i32
    %c0_i32_1 = arith.constant 0 : i32
    return %c0_i32, %c0_i32_0 : i32, i32
  }
  func.func @transform_3(%arg0: i32) -> (i32, i32) {
    %c0_i32 = arith.constant 0 : i32
    %c0_i32_0 = arith.constant 0 : i32
    %c0_i32_1 = arith.constant 0 : i32
    return %c0_i32, %c0_i32_0 : i32, i32
  }
  func.func @transform_4(%arg0: i32) -> (i32, i32) {
    %c0_i32 = arith.constant 0 : i32
    %c0_i32_0 = arith.constant 0 : i32
    %c0_i32_1 = arith.constant 0 : i32
    return %c0_i32, %c0_i32_0 : i32, i32
  }
  func.func @transform_5(%arg0: i32) -> (i32, i32) {
    %c0_i32 = arith.constant 0 : i32
    %c0_i32_0 = arith.constant 0 : i32
    %c0_i32_1 = arith.constant 0 : i32
    return %c0_i32, %c0_i32_0 : i32, i32
  }
  func.func @transform_6(%arg0: i32) -> (i32, i32) {
    %c0_i32 = arith.constant 0 : i32
    %c0_i32_0 = arith.constant 0 : i32
    %c0_i32_1 = arith.constant 0 : i32
    return %c0_i32, %c0_i32_0 : i32, i32
  }
  func.func @transform_7(%arg0: i32) -> (i32, i32) {
    %c0_i32 = arith.constant 0 : i32
    %c0_i32_0 = arith.constant 0 : i32
    %c0_i32_1 = arith.constant 0 : i32
    return %c0_i32, %c0_i32_0 : i32, i32
  }
  func.func @transform_8(%arg0: i32) -> (i32, i32) {
    %c0_i32 = arith.constant 0 : i32
    %c0_i32_0 = arith.constant 0 : i32
    return %arg0, %c0_i32 : i32, i32
  }
  func.func @transform_9(%arg0: i32) -> (i32, i32) {
    %c0_i32 = arith.constant 0 : i32
    %c0_i32_0 = arith.constant 0 : i32
    return %arg0, %c0_i32 : i32, i32
  }
  func.func @transform_10(%arg0: i32) -> (i32, i32) {
    %c0_i32 = arith.constant 0 : i32
    %c0_i32_0 = arith.constant 0 : i32
    return %arg0, %c0_i32 : i32, i32
  }
}

module attributes {stable_mosaic.version = 14 : i64} {
  func.func @_post_body(%arg0: i32, %arg1: memref<2000x128xf32, #tpu.memory_space<vmem>>, %arg2: memref<2000x16xf32, #tpu.memory_space<vmem>>, %arg3: memref<2000x128xf32, #tpu.memory_space<vmem>>, %arg4: memref<2000x128xf32, #tpu.memory_space<vmem>>, %arg5: memref<2000x128xf32, #tpu.memory_space<vmem>>, %arg6: memref<128x128xf32, #tpu.memory_space<vmem>>, %arg7: memref<1x128xf32, #tpu.memory_space<vmem>>, %arg8: memref<128x64xf32, #tpu.memory_space<vmem>>, %arg9: memref<1x64xf32, #tpu.memory_space<vmem>>, %arg10: memref<2000x64xf32, #tpu.memory_space<vmem>>) attributes {dimension_semantics = [#tpu.dimension_semantics<arbitrary>], iteration_bounds = array<i64: 5>, scalar_prefetch = 0 : i64, scratch_operands = 0 : i64, tpu.core_type = #tpu.core_type<tc>, window_params = [{transform_indices = @transform_0, window_bounds = array<i64: 2000, 128>}, {transform_indices = @transform_1, window_bounds = array<i64: 2000, 16>}, {transform_indices = @transform_2, window_bounds = array<i64: 2000, 128>}, {transform_indices = @transform_3, window_bounds = array<i64: 2000, 128>}, {transform_indices = @transform_4, window_bounds = array<i64: 2000, 128>}, {pipeline_mode = #tpu.pipeline_mode<synchronous>, transform_indices = @transform_5, window_bounds = array<i64: 128, 128>}, {pipeline_mode = #tpu.pipeline_mode<synchronous>, transform_indices = @transform_6, window_bounds = array<i64: 1, 128>}, {pipeline_mode = #tpu.pipeline_mode<synchronous>, transform_indices = @transform_7, window_bounds = array<i64: 128, 64>}, {pipeline_mode = #tpu.pipeline_mode<synchronous>, transform_indices = @transform_8, window_bounds = array<i64: 1, 64>}, {transform_indices = @transform_9, window_bounds = array<i64: 2000, 64>}]} {
    %get3A = arith.constant 0 : index
    %get3A_0 = arith.constant 0 : index
    %get3A_1 = vector.load %arg1[%get3A, %get3A_0] : memref<2000x128xf32, #tpu.memory_space<vmem>>, vector<2000x128xf32>
    %get3A_2 = arith.constant 0 : index
    %get3A_3 = arith.constant 0 : index
    %get3A_4 = vector.load %arg3[%get3A_2, %get3A_3] : memref<2000x128xf32, #tpu.memory_space<vmem>>, vector<2000x128xf32>
    %get3A_5 = arith.constant 0 : index
    %get3A_6 = arith.constant 0 : index
    %get3A_7 = vector.load %arg4[%get3A_5, %get3A_6] : memref<2000x128xf32, #tpu.memory_space<vmem>>, vector<2000x128xf32>
    %add3A = arith.addf %get3A_4, %get3A_7 : vector<2000x128xf32>
    %max3A = arith.constant 0.000000e+00 : f32
    %max3A_8 = vector.broadcast %max3A : f32 to vector<2000x128xf32>
    %max3A_9 = arith.maximumf %add3A, %max3A_8 : vector<2000x128xf32>
    %add3A_10 = arith.addf %get3A_1, %max3A_9 : vector<2000x128xf32>
    %get3A_11 = arith.constant 0 : index
    %get3A_12 = arith.constant 0 : index
    %get3A_13 = vector.load %arg2[%get3A_11, %get3A_12] : memref<2000x16xf32, #tpu.memory_space<vmem>>, vector<2000x16xf32>
    %reduce_sum3A = arith.constant dense<0.000000e+00> : vector<2000xf32>
    %reduce_sum3A_14 = vector.multi_reduction <add>, %get3A_13, %reduce_sum3A [1] : vector<2000x16xf32> to vector<2000xf32>
    %broadcast_in_dim3A = vector.shape_cast %reduce_sum3A_14 : vector<2000xf32> to vector<2000x1xf32>
    %add3A_15 = arith.constant 1.000000e+00 : f32
    %add3A_16 = vector.broadcast %add3A_15 : f32 to vector<2000x1xf32>
    %add3A_17 = arith.addf %broadcast_in_dim3A, %add3A_16 : vector<2000x1xf32>
    %get3A_18 = arith.constant 0 : index
    %get3A_19 = arith.constant 0 : index
    %get3A_20 = vector.load %arg6[%get3A_18, %get3A_19] : memref<128x128xf32, #tpu.memory_space<vmem>>, vector<128x128xf32>
    %dot_general3A = arith.constant dense<0.000000e+00> : vector<2000x128xf32>
    %dot_general3A_21 = tpu.matmul %add3A_10, %get3A_20, %dot_general3A {dimension_numbers = #tpu.dot_dimension_numbers<[1], [0], [0], [1], [0, 0, 1, 1], [], []>, transpose_lhs_hint = false} : vector<2000x128xf32>, vector<128x128xf32>, vector<2000x128xf32> -> vector<2000x128xf32>
    %get3A_22 = arith.constant 0 : index
    %get3A_23 = arith.constant 0 : index
    %get3A_24 = vector.load %arg7[%get3A_22, %get3A_23] : memref<1x128xf32, #tpu.memory_space<vmem>>, vector<1x128xf32>
    %mul3A = vector.broadcast %add3A_17 : vector<2000x1xf32> to vector<2000x128xf32>
    %mul3A_25 = vector.broadcast %get3A_24 : vector<1x128xf32> to vector<2000x128xf32>
    %mul3A_26 = arith.mulf %mul3A, %mul3A_25 : vector<2000x128xf32>
    %add3A_27 = arith.addf %dot_general3A_21, %mul3A_26 : vector<2000x128xf32>
    %get3A_28 = arith.constant 0 : index
    %get3A_29 = arith.constant 0 : index
    %get3A_30 = vector.load %arg5[%get3A_28, %get3A_29] : memref<2000x128xf32, #tpu.memory_space<vmem>>, vector<2000x128xf32>
    %add3A_31 = arith.addf %add3A_27, %get3A_30 : vector<2000x128xf32>
    %mul3A_32 = arith.constant 5.000000e-01 : f32
    %mul3A_33 = vector.broadcast %mul3A_32 : f32 to vector<2000x128xf32>
    %mul3A_34 = arith.mulf %add3A_31, %mul3A_33 : vector<2000x128xf32>
    %get3A_35 = arith.constant 0 : index
    %get3A_36 = arith.constant 0 : index
    %get3A_37 = vector.load %arg8[%get3A_35, %get3A_36] : memref<128x64xf32, #tpu.memory_space<vmem>>, vector<128x64xf32>
    %dot_general3A_38 = arith.constant dense<0.000000e+00> : vector<2000x64xf32>
    %dot_general3A_39 = tpu.matmul %mul3A_34, %get3A_37, %dot_general3A_38 {dimension_numbers = #tpu.dot_dimension_numbers<[1], [0], [0], [1], [0, 0, 1, 1], [], []>, transpose_lhs_hint = false} : vector<2000x128xf32>, vector<128x64xf32>, vector<2000x64xf32> -> vector<2000x64xf32>
    %get3A_40 = arith.constant 0 : index
    %get3A_41 = arith.constant 0 : index
    %get3A_42 = vector.load %arg9[%get3A_40, %get3A_41] : memref<1x64xf32, #tpu.memory_space<vmem>>, vector<1x64xf32>
    %add3A_43 = vector.broadcast %get3A_42 : vector<1x64xf32> to vector<2000x64xf32>
    %add3A_44 = arith.addf %dot_general3A_39, %add3A_43 : vector<2000x64xf32>
    %swap3A = arith.constant 0 : index
    %swap3A_45 = arith.constant 0 : index
    %swap3A_46 = vector.load %arg10[%swap3A, %swap3A_45] : memref<2000x64xf32, #tpu.memory_space<vmem>>, vector<2000x64xf32>
    tpu.vector_store %arg10[%swap3A, %swap3A_45], %add3A_44 {strides = array<i32>} : memref<2000x64xf32, #tpu.memory_space<vmem>>, vector<2000x64xf32>,
    return
  }
  func.func @transform_0(%arg0: i32) -> (i32, i32) {
    %c0_i32 = arith.constant 0 : i32
    %c0_i32_0 = arith.constant 0 : i32
    return %arg0, %c0_i32 : i32, i32
  }
  func.func @transform_1(%arg0: i32) -> (i32, i32) {
    %c0_i32 = arith.constant 0 : i32
    %c0_i32_0 = arith.constant 0 : i32
    return %arg0, %c0_i32 : i32, i32
  }
  func.func @transform_2(%arg0: i32) -> (i32, i32) {
    %c0_i32 = arith.constant 0 : i32
    %c0_i32_0 = arith.constant 0 : i32
    return %arg0, %c0_i32 : i32, i32
  }
  func.func @transform_3(%arg0: i32) -> (i32, i32) {
    %c0_i32 = arith.constant 0 : i32
    %c0_i32_0 = arith.constant 0 : i32
    return %arg0, %c0_i32 : i32, i32
  }
  func.func @transform_4(%arg0: i32) -> (i32, i32) {
    %c0_i32 = arith.constant 0 : i32
    %c0_i32_0 = arith.constant 0 : i32
    return %arg0, %c0_i32 : i32, i32
  }
  func.func @transform_5(%arg0: i32) -> (i32, i32) {
    %c0_i32 = arith.constant 0 : i32
    %c0_i32_0 = arith.constant 0 : i32
    %c0_i32_1 = arith.constant 0 : i32
    return %c0_i32, %c0_i32_0 : i32, i32
  }
  func.func @transform_6(%arg0: i32) -> (i32, i32) {
    %c0_i32 = arith.constant 0 : i32
    %c0_i32_0 = arith.constant 0 : i32
    %c0_i32_1 = arith.constant 0 : i32
    return %c0_i32, %c0_i32_0 : i32, i32
  }
  func.func @transform_7(%arg0: i32) -> (i32, i32) {
    %c0_i32 = arith.constant 0 : i32
    %c0_i32_0 = arith.constant 0 : i32
    %c0_i32_1 = arith.constant 0 : i32
    return %c0_i32, %c0_i32_0 : i32, i32
  }
  func.func @transform_8(%arg0: i32) -> (i32, i32) {
    %c0_i32 = arith.constant 0 : i32
    %c0_i32_0 = arith.constant 0 : i32
    %c0_i32_1 = arith.constant 0 : i32
    return %c0_i32, %c0_i32_0 : i32, i32
  }
  func.func @transform_9(%arg0: i32) -> (i32, i32) {
    %c0_i32 = arith.constant 0 : i32
    %c0_i32_0 = arith.constant 0 : i32
    return %arg0, %c0_i32 : i32, i32
  }
}

</mosaic_0001>

<sc_bundles>
// kernel: kernel.5.cloned.1.call-start
scs
__scs_entry_jumppad:
0x0: {  	(pc) =	sbr.rel $0x88, $3  }
0x1: {  	(tag) =	ssettag $0x0;
	lr =	simm.s32 $0x1  }
0x2: {  	[smem:$0x3F95] =	sst lr;
	_ =	strace $0xD0000000  }
0x3: {  	_ = 	snop  }
0x4: {  	_ = 	snop  }
0x5: {  	_ = 	snop  }
0x6: {  	_ = 	snop  }
0x7: {  	_ = 	snop  }
__scs_overlays_trampoline_lowered:
0x8: {  	[smem:$0x3FA4] =	sst s0  }
0x9: {  	[smem:$0x3FA5] =	sst s1  }
0xa: {  	[smem:$0x3FA6] =	sst s2  }
0xb: {  	[smem:$0x3FA7] =	sst s3  }
0xc: {  	[smem:$0x3FA8] =	sst s4  }
0xd: {  	[smem:$0x3FA9] =	sst s5  }
0xe: {  	[smem:$0x3FAA] =	sst s6  }
0xf: {  	[smem:$0x3FAB] =	sst s7  }
0x10: {  	[smem:$0x3FAC] =	sst s8  }
0x11: {  	[smem:$0x3FAD] =	sst s9;
	s0 =	simm.s32 @!p0 $0x0  }
0x12: {  	s1 =	sld [smem:$0x3F93];
	s0 =	simm.s32 @p0 $0x1  }
0x13: {  	[smem:$0x3FAE] =	sst s0;
	s0 =	simm.s32 @!p1 $0x0  }
0x14: {  	s2 =	sld [smem:$0x3F92];
	s0 =	simm.s32 @p1 $0x1  }
0x15: {  	[smem:$0x3FAF] =	sst s0;
	s0 =	simm.s32 @!p2 $0x0  }
0x16: {  	s3 =	sld [smem:$0x3FDB];
	s0 =	simm.s32 @p2 $0x1  }
0x17: {  	s4 =	simm.s32 $0x1BF5;
	[smem:$0x3FB1] =	sst s0  }
0x18: {  	s0 =	sld [smem:$0x3F94];
	_ =	swait.ge [sflag:s4], $0x0  }
0x19: {  	s7 =	sld [smem:$0x3F95]  }
0x1a: {  	s8 =	sadd.s32 $0xFFFFE003, lr  }
0x1b: {  	s9 =	sadd.s32 $0xFFFFFEF7, lr;
	s5 =	simm.s32 $0xFFFFFFFF;
	p2 =	slt.u32 s8, $0xFFFFF086  }
0x1c: {  	p1 =	slt.u32 s9, $0xF7A;
	s5 =	simm.s32 @!p2 $0x0  }
0x1d: {  	s5 =	simm.s32 @p1 $0x1;
	p0 =	seq.s32 s7, s2  }
0x1e: {  	s7 =	smul.u32 @!p0 $0xF7A, s2;
	p2 =	seq.s32 @!p0 s5, $0x0  }
0x1f: {  	s9 =	smul.u32 $0xF7A, s1;
	s8 =	simm.s32 @!p0 $0x1BF5;
	p2 =	por !p2, p0  }
0x20: {  	[sflag:s8] =	ssyncset.s32 @!p0 $0xFFFFF086;
	s6 =	sadd.s32 @!p0 s3, s7;
	s7 =	simm.s32 @!p0 $0x108  }
0x21: {  	s3 =	sadd.s32 s3, s9;
	s6 =	sadd.s32 @!p0 $0x88, s6;
	s7 =	simm.s32 @p2 $0x1082  }
0x22: {  	[simem:s7], [sflag:s8] =	dma.local @!p0 [hbm:s6], $0xF7A  }
0x23: {  	s9 =	sor.u32 $0xD0000000, s2;
	s6 =	simm.s32 $0x108;
	_ =	swait.ge @!p0 [sflag:s8], $0x0  }
0x24: {  	s3 =	sadd.s32 $0x88, s3;
	s6 =	simm.s32 @!p1 $0x1082;
	[sflag:s4] =	ssyncset.s32 $0xFFFFF086  }
0x25: {  	[simem:s6], [sflag:s4] =	dma.local [hbm:s3], $0xF7A  }
0x26: {  	[smem:$0x3F95] =	sst s1;
	(tag) =	ssettag s2;
	_ =	strace s9  }
0x27: {  	s1 =	sld [smem:$0x3FA5]  }
0x28: {  	s2 =	sld [smem:$0x3FA6]  }
0x29: {  	s4 =	sld [smem:$0x3FA8]  }
0x2a: {  	p0 =	seq.s32 s5, $0x0;
	s5 =	sld [smem:$0x3FA9]  }
0x2b: {  	s6 =	sld [smem:$0x3FAA]  }
0x2c: {  	s7 =	sld [smem:$0x3FAB]  }
0x2d: {  	s3 =	simm.s32 $0x108;
	s8 =	sld [smem:$0x3FAC]  }
0x2e: {  	s3 =	simm.s32 @!p0 $0x1082;
	s9 =	sld [smem:$0x3FAD]  }
0x2f: {  	lr =	sadd.s32 s0, s3;
	s0 =	sld [smem:$0x3FA4]  }
0x30: {  	s3 =	sld [smem:$0x3FA7]  }
0x31: {  	[smem:$0x3FB0] =	sst s10  }
0x32: {  	s10 =	sld [smem:$0x3FAE];
	_ =	sdelay $0x3  }
0x33: {  	p0 =	seq.s32 s10, $0x1;
	s10 =	sld [smem:$0x3FB0];
	_ =	sdelay $0x3  }
0x34: {  	[smem:$0x3FB0] =	sst s10  }
0x35: {  	s10 =	sld [smem:$0x3FAF];
	_ =	sdelay $0x3  }
0x36: {  	p1 =	seq.s32 s10, $0x1;
	s10 =	sld [smem:$0x3FB0];
	_ =	sdelay $0x3  }
0x37: {  	[smem:$0x3FB0] =	sst s10  }
0x38: {  	s10 =	sld [smem:$0x3FB1]  }
0x39: {  	_ = 	snop;
	(pc) =	sbr.ind lr, $3  }
0x3a: {  	_ = 	snop  }
0x3b: {  	_ = 	snop  }
0x3c: {  	p2 =	seq.s32 s10, $0x1;
	s10 =	sld [smem:$0x3FB0]  }
0x3d: {  	_ =	shalt  }
0x3e: {  	_ =	shalt  }
0x3f: {  	_ =	shalt  }
0x40: {  	_ =	shalt  }
0x41: {  	_ =	shalt  }
0x42: {  	_ =	shalt  }
0x43: {  	_ =	shalt  }
0x44: {  	_ =	shalt  }
0x45: {  	_ =	shalt  }
0x46: {  	_ =	shalt  }
0x47: {  	_ =	shalt  }
0x48: {  	_ =	shalt  }
0x49: {  	_ =	shalt  }
0x4a: {  	_ =	shalt  }
0x4b: {  	_ =	shalt  }
0x4c: {  	_ =	shalt  }
0x4d: {  	_ =	shalt  }
0x4e: {  	_ =	shalt  }
0x4f: {  	_ =	shalt  }
0x50: {  	_ =	shalt  }
0x51: {  	_ =	shalt  }
0x52: {  	_ =	shalt  }
0x53: {  	_ =	shalt  }
0x54: {  	_ =	shalt  }
0x55: {  	_ =	shalt  }
0x56: {  	_ =	shalt  }
0x57: {  	_ =	shalt  }
0x58: {  	_ =	shalt  }
0x59: {  	_ =	shalt  }
0x5a: {  	_ =	shalt  }
0x5b: {  	_ =	shalt  }
0x5c: {  	_ =	shalt  }
0x5d: {  	_ =	shalt  }
0x5e: {  	_ =	shalt  }
0x5f: {  	_ =	shalt  }
0x60: {  	_ =	shalt  }
0x61: {  	_ =	shalt  }
0x62: {  	_ =	shalt  }
0x63: {  	_ =	shalt  }
0x64: {  	_ =	shalt  }
0x65: {  	_ =	shalt  }
0x66: {  	_ =	shalt  }
0x67: {  	_ =	shalt  }
0x68: {  	_ =	shalt  }
0x69: {  	_ =	shalt  }
0x6a: {  	_ =	shalt  }
0x6b: {  	_ =	shalt  }
0x6c: {  	_ =	shalt  }
0x6d: {  	_ =	shalt  }
0x6e: {  	_ =	shalt  }
0x6f: {  	_ =	shalt  }
0x70: {  	_ =	shalt  }
0x71: {  	_ =	shalt  }
0x72: {  	_ =	shalt  }
0x73: {  	_ =	shalt  }
0x74: {  	_ =	shalt  }
0x75: {  	_ =	shalt  }
0x76: {  	_ =	shalt  }
0x77: {  	_ =	shalt  }
0x78: {  	_ =	shalt  }
0x79: {  	_ =	shalt  }
0x7a: {  	_ =	shalt  }
0x7b: {  	_ =	shalt  }
0x7c: {  	_ =	shalt  }
0x7d: {  	_ =	shalt  }
0x7e: {  	_ =	shalt  }
0x7f: {  	_ =	shalt  }
0x80: {  	_ =	shalt  }
0x81: {  	_ =	shalt  }
0x82: {  	_ =	shalt  }
0x83: {  	_ =	shalt  }
0x84: {  	_ =	shalt  }
0x85: {  	_ =	shalt  }
0x86: {  	_ =	shalt  }
0x87: {  	_ =	shalt  }
.Lfunc_end0:
.L_simem_size_0:
called_computation_lowered:
.L_overlay_start_0:
0x88: {  	s2 =	sld [smem:$0x3FD9]  }
0x89: {  	s3 =	sld [smem:$0x3FFE];
	_ =	sdelay $0x1  }
0x8a: {  	s1 =	srdreg.scid  }
0x8b: {  	s0 =	sand.u32 $0x1, s1  }
0x8c: {  	s17 =	sshll.u32 s0, $0xA;
	s2 =	sadd.s32 s3, s2  }
0x8d: {  	s2 =	sadd.s32 s2, s17  }
0x8e: {  	[smem:$0x3FBC] =	sst s2  }
0x8f: {  	_ = 	snop  }
0x90: {  	s2 =	sld [smem:$0x3FD0];
	(tm) =	ssettm $0x1  }
0x91: {  	s18 =	sld [smem:$0x3FFB];
	_ =	sdelay $0x3  }
0x92: {  	_ =	strace s18  }
0x93: {  	s3 =	sld [smem:$0x3FFC];
	_ =	sdelay $0x3  }
0x94: {  	_ =	strace s3  }
0x95: {  	s3 =	sld [smem:$0x3FFD];
	_ =	sdelay $0x3  }
0x96: {  	_ =	strace s3  }
0x97: {  	_ =	strace $0x8FFFFFFF  }
0x98: {  	s19 =	sld [smem:$0x3FDB];
	_ =	sdelay $0x1  }
0x99: {  	s4 =	simm.s32 $_scs_section_size  }
0x9a: {  	s5 =	simm.s32 $_size__tile_overlayer_lowered;
	s6 =	simm.s32 $_tile_overlayer_lowered  }
0x9b: {  	s22 =	simm.s32 $0x1BFF;
	s21 =	sshll.u32 s6, $0x1;
	s3 =	sadd.s32 s4, s19  }
0x9c: {  	s7 =	simm.s32 $0x0;
	s20 =	sshll.u32 s5, $0x1;
	s5 =	sadd.s32 s21, s3  }
0x9d: {  	[timem:s7], [sflag:s22] =	dma.local [hbm:s5], s20  }
0x9e: {  	_ =	swait.ge [sflag:s22], s20  }
0x9f: {  	s4 =	ssub.s32 $0x0, s20;
	[sflag:s22] =	ssyncset.done $0x0  }
0xa0: {  	[sflag:s22] =	ssyncadd.s32 s4;
	_ =	sdelay $0x1  }
0xa1: {  	s23 =	simm.s32 $0x1B8B  }
0xa2: {  	_ =	swait.ge [sflag:s23], $0x1  }
0xa3: {  	[sflag:s23] =	ssyncset.done $0x0  }
0xa4: {  	s25 =	simm.s32 $0x1B8E;
	s24 =	sld [smem:$0x3FFE];
	[sflag:s23] =	ssyncadd.s32 $0xFFFFFFFF  }
0xa5: {  	s26 =	simm.s32 $execute0_lowered;
	[smem:$0x3FD2] =	sst s25  }
0xa6: {  	s5 =	sshll.u32 s26, $0x1;
	_ =	strace $0x80000046;
	[dreg:$0x1] =	wrdreg $0xFFFFFFFF  }
0xa7: {  	s28 =	simm.s32 $_size_execute0_lowered;
	s3 =	sadd.s32 s3, s5;
	[dreg:$0x0] =	wrdreg $0x0  }
0xa8: {  	s5 =	sshll.u32 s28, $0x1;
	[dreg:$0x2] =	wrdreg s3  }
0xa9: {  	[dreg:$0x3] =	wrdreg s5  }
0xaa: {  	[dreg:$0x4] =	wrdreg $0xC0  }
0xab: {  	_ =	task [dreg:s7], $0x5FFFF  }
0xac: {  	[dreg:$0x1] =	wrdreg $0xFFFFFFFF  }
0xad: {  	[dreg:$0x0] =	wrdreg $0x60  }
0xae: {  	[dreg:$0x2] =	wrdreg s24  }
0xaf: {  	[dreg:$0x3] =	wrdreg s2  }
0xb0: {  	[dreg:$0x4] =	wrdreg $0x145000  }
0xb1: {  	[dreg:$0x5] =	wrdreg $0x9  }
0xb2: {  	_ =	task.clear_ibuf [dreg:s7], $0x6FFFF;
	_ =	strace $0x90000046  }
0xb3: {  	s29 =	simm.s32 $0x9;
	_ =	strace $0x80000048  }
0xb4: {  	_ =	swait.ge [sflag:s29], $0x1  }
0xb5: {  	[sflag:s29] =	ssyncadd.s32 $0xFFFFFFFF  }
0xb6: {  	_ =	strace $0x90000048  }
0xb7: {  	_ =	sfence  }
0xb8: {  	s30 =	sld [smem:$0x0];
	_ =	sdelay $0x2  }
0xb9: {  	s31 =	sshll.u32 s1, $0xD;
	s1 =	sshrl.u32 s1, $0x2  }
0xba: {  	s3 =	sand.u32 $0x4000, s31;
	s1 =	sadd.s32 s1, s30  }
0xbb: {  	s0 =	sor.u32 s3, s0;
	s1 =	sshll.u32 s1, $0x11  }
0xbc: {  	s0 =	sor.u32 s1, s0  }
0xbd: {  	s0 =	sadd.s32 $0x8F2B, s0  }
0xbe: {  	[sflag:s0] =	ssyncadd.remote.s32 $0x1  }
0xbf: {  	_ =	sfence.sel $0xFFFF  }
0xc0: {  	[dreg:$0x0] =	wrdreg $0xFFFFFFFF;
	(pc) =	sbr.abs _section_cstart, $3  }
0xc1: {  	[dreg:$0x1] =	wrdreg $0xFFFFFFFF  }
0xc2: {  	_ =	task.clear_ibuf [dreg:s7], $0x2FFFF;
	_ =	strace $0x9FFFFFFF  }
0xc3: {  	(tm) =	ssettm $0x7FFFFFFF  }
tec
execute0_lowered:
.L_overlay_start_1:
0x0: {  	(tag) =	ssettag $0x1  }
0x1: {  	s0 =	rddreg [dreg:$0x0]  }
0x2: {  	s1 =	rddreg [dreg:$0x1]  }
0x3: {  	s2 =	rddreg [dreg:$0x2];
	s3 =	srdreg.scid  }
0x4: {  	s4 =	simm.s32 $0x0;
	s14 =	stileid.u32;
	s22 =	simm.s32 $0x10500  }
0x5: {  	s23 =	simm.s32 $0x11;
	s28 =	simm.s32 $0xF;
	s29 =	simm.s32 $0x10  }
0x6: {  	s3 =	sand.u32 $0x1, s3;
	[smem:$0x7FF] =	sst s4;
	s8 =	smul.u32 $0xA000, s14  }
0x7: {  	s5 =	sadd.s32 $0xC600, s0;
	s6 =	sadd.s32 $0x34600, s0;
	s30 =	smul.u32 $0x28C00, s14  }
0x8: {  	s24 =	sshrl.u32 s14, $0x3;
	s10 =	sshll.u32 s14, $0x7;
	s7 =	smul.u32 $0xA0000, s3  }
0x9: {  	_ =	strace $0x80000047;
	s25 =	sand.u32 $0x380, s10;
	s26 =	ssub.s32 $0x2, s3  }
0xa: {  	s16 =	smul.u32 $0x1400, s3;
	p0 =	sne.s32 s3, $0x0;
	s13 =	sshrl.u32 s26, $0x1  }
0xb: {  	s10 =	sshrl.u32 s30, $0x2;
	s7 =	sadd.s32 s8, s7;
	s8 =	smul.u32 $0x14000, s24  }
0xc: {  	s31 =	ssub.s32 s26, s13;
	s9 =	sshrl.u32 s7, $0x3;
	s7 =	sadd.s32 $0x2800, s0  }
0xd: {  	s30 =	smax.u32 s31, $0x1;
	s11 =	sadd.s32 s9, s0;
	s8 =	sor.u32 s25, s8  }
0xe: {  	s9 =	sadd.s32 s10, s2;
	s12 =	sshrl.u32 s8, $0x3;
	s8 =	smul.u32 $0x4F00, s14  }
0xf: {  	[dreg:$0x9] =	wrdreg s30;
	s14 =	smul.u32 $0x28000, s14;
	s15 =	sadd.s32 $0x8F80, s9  }
0x10: {  	s25 =	sadd.s32 $0x5C600, s11;
	s31 =	sadd.s32 $0x1480, s9;
	s17 =	sadd.s32 $0x2900, s9  }
0x11: {  	s18 =	sadd.s32 $0x3D80, s9;
	s19 =	sadd.s32 $0x5200, s9;
	[dreg:$0x4] =	wrdreg s15  }
0x12: {  	s20 =	sadd.s32 $0x6680, s9;
	s21 =	sadd.s32 $0x7B00, s9;
	[dreg:$0x7] =	wrdreg s25  }
.Ltmp0:
0x13: {  	s0 =	sadd.s32 s12, s0;
	[dreg:$0xa] =	wrdreg s31;
	(pc) =	sbr.rel .LBB2_1-.Ltmp0, $4  }
0x14: {  	s25 =	simm.s32 $0x0;
	s13 =	sshrl.u32 s8, $0x3;
	s0 =	sadd.s32 $0x84600, s0  }
0x15: {  	s26 =	sshrl.u32 s14, $0x2;
	s10 =	sadd.s32 s7, s13;
	[dreg:$0x8] =	wrdreg s0  }
0x16: {  	s24 =	sadd.s32 s1, s13;
	[dreg:$0x6] =	wrdreg s10;
	s10 =	sadd.s32 s26, s2  }
0x17: {  	v1 =	vimm.f32 $0.0e+00;
	v0 =	vmov s16;
	[dreg:$0x5] =	wrdreg s24;
	s26 =	simm.s32 $0x40;
	s24 =	sshrl.u32 s10, $0x3  }
.LBB2_17:
0x18: {  	_ =	swait.ge [sflag:s28], $0x2000  }
0x19: {  	[sflag:s28] =	ssyncset.done $0x0  }
0x1a: {  	[sflag:s28] =	ssyncadd.s32 $0xFFFFE000  }
0x1b: {  	_ =	swait.ge [sflag:s29], $0x2000  }
0x1c: {  	[sflag:s29] =	ssyncset.done $0x0  }
0x1d: {  	s0 =	stileid.u32;
	[sflag:s29] =	ssyncadd.s32 $0xFFFFE000  }
0x1e: {  	s0 =	sshll.u32 s0, $0x6;
	[bflag:$0x0] =	sbarrier.arrive $0xFFFF  }
0x1f: {  	s0 =	sor.u32 $0x1C11, s0;
	s3 =	rddreg [dreg:$0x7]  }
0x20: {  	[hbm:s3], [sflag:s0] =	dma.local [spmem:s24], $0x1400  }
0x21: {  	_ =	swait.ge [sflag:s23], $0x1400  }
0x22: {  	s30 =	simm.s32 $0x80;
	s10 =	simm.s32 $0x400;
	[sflag:s23] =	ssyncset.done $0x0  }
0x23: {  	s11 =	simm.s32 $0x11D00;
	s16 =	rddreg [dreg:$0x8];
	[sflag:s23] =	ssyncadd.s32 $0xFFFFEC00  }
0x24: {  	[hbm4b:s16+s30] =	stream.strided.scatter [tilespmem:s11], [sflag:$0x11], $0x2800, s10, s30, $0x38;
	[tilespmem:$0x1E800] =	vst v63  }
0x25: {  	_ =	swait.ge [sflag:s23], $0x2800  }
0x26: {  	s25 =	sadd.s32 $0x1, s25;
	s31 =	rddreg [dreg:$0x9]  }
0x27: {  	p1 =	sne.s32 s25, s31  }
.Ltmp1:
0x28: {  	_ = 	snop;
	(pc) =	sbr.rel @!p1 .LBB2_18-.Ltmp1, $3  }
0x29: {  	_ =	sdelay $0x1  }
0x2a: {  	[sflag:s23] =	ssyncset.done $0x0  }
0x2b: {  	[sflag:s23] =	ssyncadd.s32 $0xFFFFD800  }
.LBB2_1:
0x2c: {  	s0 =	simm.s32 $0x0;
	s3 =	simm.s32 $0x0  }
.LBB2_2:
0x2d: {  	p1 =	sne.s32 s3, $0x51C0  }
.Ltmp2:
0x2e: {  	_ = 	snop;
	(pc) =	sbr.rel @p1 .LBB2_2-.Ltmp2, $4  }
0x2f: {  	s10 =	sand.u32 $0x7E00, s3  }
0x30: {  	s11 =	sand.u32 $0x70, s0;
	s10 =	sshrl.u32 s10, $0x2  }
0x31: {  	s10 =	sor.u32 s11, s10  }
0x32: {  	s0 =	sadd.s32 $0x10, s0;
	s3 =	sadd.s32 $0x40, s3;
	[tilespmem:s10+$0x10500] =	vst v1  }
0x33: {  	s0 =	simm.s32 $0x40;
	s3 =	simm.s32 $0x0  }
.LBB2_4:
0x34: {  	p1 =	sne.s32 s0, $0x9FC0;
	[tilespmem:s3+$0x11D00] =	vst v1;
	s3 =	smov.u32 s0;
	s0 =	sadd.s32 $0x40, s0  }
.Ltmp3:
0x35: {  	(pc) =	sbr.rel @p1 .LBB2_4-.Ltmp3, $2  }
0x36: {  	_ =	sdelay $0x2  }
0x37: {  	s3 =	sshra.s32 s3, $0x2  }
0x38: {  	[tilespmem:s3+$0x11D00] =	vst v1  }
0x39: {  	[spmem:s9] =	stream.linear.scatter [tilespmem:s22], [sflag:$0x11], $0x1480, $0x38;
	[tilespmem:$0x1E800] =	vst v63  }
0x3a: {  	_ =	swait.ge [sflag:s23], $0x1480  }
0x3b: {  	[sflag:s23] =	ssyncset.done $0x0  }
0x3c: {  	s0 =	rddreg [dreg:$0xa];
	[sflag:s23] =	ssyncadd.s32 $0xFFFFEB80  }
0x3d: {  	[spmem:s0] =	stream.linear.scatter [tilespmem:s22], [sflag:$0x11], $0x1480, $0x38;
	[tilespmem:$0x1E800] =	vst v63  }
0x3e: {  	_ =	swait.ge [sflag:s23], $0x1480  }
0x3f: {  	[sflag:s23] =	ssyncset.done $0x0  }
0x40: {  	[sflag:s23] =	ssyncadd.s32 $0xFFFFEB80  }
0x41: {  	[spmem:s17] =	stream.linear.scatter [tilespmem:s22], [sflag:$0x11], $0x1480, $0x38;
	[tilespmem:$0x1E800] =	vst v63  }
0x42: {  	_ =	swait.ge [sflag:s23], $0x1480  }
0x43: {  	[sflag:s23] =	ssyncset.done $0x0  }
0x44: {  	[sflag:s23] =	ssyncadd.s32 $0xFFFFEB80  }
0x45: {  	[spmem:s18] =	stream.linear.scatter [tilespmem:s22], [sflag:$0x11], $0x1480, $0x38;
	[tilespmem:$0x1E800] =	vst v63  }
0x46: {  	_ =	swait.ge [sflag:s23], $0x1480  }
0x47: {  	[sflag:s23] =	ssyncset.done $0x0  }
0x48: {  	[sflag:s23] =	ssyncadd.s32 $0xFFFFEB80  }
0x49: {  	[spmem:s19] =	stream.linear.scatter [tilespmem:s22], [sflag:$0x11], $0x1480, $0x38;
	[tilespmem:$0x1E800] =	vst v63  }
0x4a: {  	_ =	swait.ge [sflag:s23], $0x1480  }
0x4b: {  	[sflag:s23] =	ssyncset.done $0x0  }
0x4c: {  	[sflag:s23] =	ssyncadd.s32 $0xFFFFEB80  }
0x4d: {  	[spmem:s20] =	stream.linear.scatter [tilespmem:s22], [sflag:$0x11], $0x1480, $0x38;
	[tilespmem:$0x1E800] =	vst v63  }
0x4e: {  	_ =	swait.ge [sflag:s23], $0x1480  }
0x4f: {  	[sflag:s23] =	ssyncset.done $0x0  }
0x50: {  	[sflag:s23] =	ssyncadd.s32 $0xFFFFEB80  }
0x51: {  	[spmem:s21] =	stream.linear.scatter [tilespmem:s22], [sflag:$0x11], $0x1480, $0x38;
	[tilespmem:$0x1E800] =	vst v63  }
0x52: {  	_ =	swait.ge [sflag:s23], $0x1480  }
0x53: {  	[sflag:s23] =	ssyncset.done $0x0  }
0x54: {  	s14 =	rddreg [dreg:$0x4];
	[sflag:s23] =	ssyncadd.s32 $0xFFFFEB80  }
0x55: {  	[spmem:s14] =	stream.linear.scatter [tilespmem:s22], [sflag:$0x11], $0x1380, $0x38;
	[tilespmem:$0x1E800] =	vst v63  }
0x56: {  	_ =	swait.ge [sflag:s23], $0x1380  }
0x57: {  	[sflag:s23] =	ssyncset.done $0x0  }
0x58: {  	[sflag:s23] =	ssyncadd.s32 $0xFFFFEC80  }
.Ltmp4:
0x59: {  	[bflag:$0x0] =	sbarrier.arrive $0xFFFF;
	(pc) =	sbr.rel .LBB2_6-.Ltmp4, $4  }
0x5a: {  	s30 =	simm.s32 $0x0;
	s15 =	rddreg [dreg:$0x5]  }
0x5b: {  	[tilespmem:s30], [sflag:$0x7] =	stream.linear.gather [hbm4b:s15+s30], $0x40, $0x38;
	[tilespmem:$0x1E800] =	vst v63  }
0x5c: {  	s31 =	simm.s32 $0x200;
	s16 =	rddreg [dreg:$0x6]  }
0x5d: {  	[tilespmem:s31], [sflag:$0xB] =	stream.linear.gather [hbm4b:s16+s30], $0x40, $0x38;
	[tilespmem:$0x1E800] =	vst v63  }
.LBB2_16:
0x5e: {  	p1 =	sne.s32 s0, $0x13E  }
.Ltmp5:
0x5f: {  	_ = 	snop;
	(pc) =	sbr.rel @!p1 .LBB2_17-.Ltmp5, $2  }
0x60: {  	_ =	sdelay $0x2  }
0x61: {  	s30 =	smov.u32 s0  }
.LBB2_6:
0x62: {  	p1 =	sgt.u32 s30, $0x13B  }
0x63: {  	s0 =	smul.u32 @!p1 $0xAAAB, s30;
	s3 =	sand.u32 @!p1 $0x3, s30  }
0x64: {  	s10 =	sadd.s32 @!p1 $0x7, s3  }
0x65: {  	s0 =	sshrl.u32 @!p1 s0, $0x11;
	_ =	swait.ge @!p1 [sflag:s10], $0x40  }
0x66: {  	s0 =	smul.u32 @!p1 $0x3, s0;
	[sflag:s10] =	ssyncset.done @!p1 $0x0  }
0x67: {  	[sflag:s10] =	ssyncadd.s32 @!p1 $0xFFFFFFC0;
	s10 =	sadd.s32 @!p1 $0xB, s3  }
0x68: {  	s0 =	ssub.s32 @!p1 s30, s0;
	_ =	swait.ge @!p1 [sflag:s10], $0x40  }
0x69: {  	s14 =	simm.s32 @!p1 $0x40;
	s0 =	sand.u32 @!p1 $0xFFFF, s0;
	[sflag:s10] =	ssyncset.done @!p1 $0x0  }
0x6a: {  	s3 =	sshll.u32 @!p1 s3, $0x7;
	[sflag:s10] =	ssyncadd.s32 @!p1 $0xFFFFFFC0;
	s10 =	sshll.u32 @!p1 s0, $0xD  }
0x6b: {  	s11 =	sor.u32 @!p1 $0x200, s3;
	s13 =	sadd.s32 @!p1 $0x1, s0;
	s12 =	sor.u32 @!p1 $0x500, s10  }
0x6c: {  	[tilespmem:s12], [sflag:s13] =	stream.indirect.gather @!p1 [hbm4b:s5+s14], $0x80, s11, s14, $0xb8;
	[tilespmem:$0x1E800] =	vst v63  }
0x6d: {  	p2 =	sne.s32 @!p1 s30, $0x13B;
	s0 =	sor.u32 @!p1 $0x4, s0;
	s10 =	sadd.s32 @!p1 $0x6500, s10  }
0x6e: {  	[tilespmem:s10], [sflag:s0] =	stream.indirect.gather @!p1 [hbm4b:s6+s14], $0x80, s3, s14, $0xb8;
	[tilespmem:$0x1E800] =	vst v63  }
0x6f: {  	p1 =	por p1, !p2  }
.Ltmp6:
0x70: {  	_ = 	snop;
	(pc) =	sbr.rel @!p1 .LBB2_8-.Ltmp6, $1  }
0x71: {  	_ =	sdelay $0x3  }
0x72: {  	s0 =	sadd.s32 $0xFFFFFFFE, s30  }
0x73: {  	s3 =	sand.u32 $0xFFFF, s0  }
0x74: {  	s3 =	smul.u32 $0xAAAB, s3;
	_ =	sdelay $0x1  }
0x75: {  	s3 =	sshrl.u32 s3, $0x11  }
0x76: {  	s3 =	smul.u32 $0x3, s3;
	_ =	sdelay $0x1  }
0x77: {  	s3 =	ssub.s32 s0, s3  }
0x78: {  	s31 =	sand.u32 $0x1, s30;
	s0 =	sand.u32 $0x3, s0;
	s3 =	sand.u32 $0xFFFF, s3  }
.LBB2_10:
0x79: {  	s10 =	sadd.s32 $0xF, s31  }
0x7a: {  	_ =	swait.ge [sflag:s10], $0x2000  }
0x7b: {  	[sflag:s10] =	ssyncset.done $0x0  }
0x7c: {  	[sflag:s10] =	ssyncadd.s32 $0xFFFFE000  }
.LBB2_11:
0x7d: {  	s10 =	sshll.u32 s0, $0x7  }
0x7e: {  	s12 =	sor.u32 $0x200, s10  }
0x7f: {  	v2 =	vmov s12;
	_ =	sdelay $0x1  }
0x80: {  	s16 =	sshll.u32 s31, $0x7  }
0x81: {  	s0 =	sor.u32 $0x400, s16  }
0x82: {  	s11 =	simm.s32 $0x0;
	p1 =	por $0x1, $0x1;
	v3 =	vmov s0  }
.LBB2_12:
0x83: {  	v4 =	vld.idx.msk [tilespmem:v2+s11+$0x0 ss:$0x1], $0xffff;
	s12 =	sor.u32 $0x10, s11  }
0x84: {  	v5 =	vld.idx.msk [tilespmem:v2+s12+$0x0 ss:$0x1], $0xffff;
	_ =	sdelay $0x1  }
0x85: {  	p2 =	por p1, p1  }
.Ltmp7:
0x86: {  	_ = 	snop;
	(pc) =	sbr.rel @p2 .LBB2_12-.Ltmp7, $4  }
0x87: {  	v4 =	vsub.s32 v4, v0  }
0x88: {  	v4 =	vmin.u32 v4, $0x1400;
	v5 =	vsub.s32 v5, v0  }
0x89: {  	[tilespmem:v3+s11+$0x0 ss:$0x1] =	vst.idx.msk $0xffff, v4;
	v4 =	vmin.u32 v5, $0x1400  }
0x8a: {  	p1 =	por $0x0, $0x0;
	s11 =	simm.s32 $0x20;
	[tilespmem:v3+s12+$0x0 ss:$0x1] =	vst.idx.msk $0xffff, v4  }
0x8b: {  	v2 =	vld @!p0 [tilespmem:s10+$0x200];
	_ =	sdelay $0x6  }
0x8c: {  	v3 =	vimm.f32 @!p0 $1.000000000e+00;
	s11 =	simm.s32 @!p0 $0x11D00  }
0x8d: {  	[tilespmem:v2+s11+$0x0] =	vst.idx.add.f32.msk @!p0 $0xffff, v3  }
0x8e: {  	v2 =	vld @!p0 [tilespmem:s10+$0x210];
	_ =	sdelay $0x7  }
0x8f: {  	[tilespmem:v2+s11+$0x0] =	vst.idx.add.f32.msk @!p0 $0xffff, v3  }
0x90: {  	v2 =	vld @!p0 [tilespmem:s10+$0x220];
	_ =	sdelay $0x7  }
0x91: {  	[tilespmem:v2+s11+$0x0] =	vst.idx.add.f32.msk @!p0 $0xffff, v3  }
0x92: {  	v2 =	vld @!p0 [tilespmem:s10+$0x230];
	_ =	sdelay $0x7  }
0x93: {  	s14 =	sadd.s32 $0x1, s3;
	[tilespmem:v2+s11+$0x0] =	vst.idx.add.f32.msk @!p0 $0xffff, v3  }
0x94: {  	_ =	swait.ge [sflag:s14], $0x2000  }
0x95: {  	[sflag:s14] =	ssyncset.done $0x0  }
0x96: {  	s15 =	sadd.s32 $0x4, s3;
	[sflag:s14] =	ssyncadd.s32 $0xFFFFE000  }
0x97: {  	_ =	swait.ge [sflag:s15], $0x2000  }
0x98: {  	s16 =	sshll.u32 s3, $0xD;
	[sflag:s15] =	ssyncset.done $0x0  }
0x99: {  	[sflag:s15] =	ssyncadd.s32 $0xFFFFE000;
	s15 =	sor.u32 $0x600, s16  }
0x9a: {  	s14 =	sadd.s32 $0x6600, s16;
	v2 =	vld [tilespmem:s15+$0x80]  }
0x9b: {  	v3 =	vld [tilespmem:s14+$0x80];
	_ =	sdelay $0x4  }
0x9c: {  	v4 =	vld [tilespmem:s15+$0xFFFFFF80];
	v2 =	vadd.f32 v3, v2  }
0x9d: {  	s13 =	sshll.u32 s31, $0xD;
	v3 =	vld [tilespmem:s14+$0xFFFFFF80]  }
0x9e: {  	s3 =	sor.u32 $0xC600, s13;
	v5 =	vld [tilespmem:s14+$0xFFFFFF00];
	v2 =	vmax.f32 v2, $0.0e+00  }
0x9f: {  	v6 =	vld [tilespmem:s15+$0xFFFFFF00];
	[tilespmem:s3+$0x80] =	vst v2  }
0xa0: {  	v2 =	vld [tilespmem:s15+$0x90]  }
0xa1: {  	v7 =	vld [tilespmem:s14+$0x90]  }
0xa2: {  	v8 =	vld [tilespmem:s15+$0x0];
	v3 =	vadd.f32 v3, v4  }
0xa3: {  	v4 =	vld [tilespmem:s14+$0x0]  }
0xa4: {  	v5 =	vadd.f32 v5, v6;
	v3 =	vmax.f32 v3, $0.0e+00  }
0xa5: {  	[tilespmem:s3+$0xFFFFFF80] =	vst v3  }
0xa6: {  	v5 =	vmax.f32 v5, $0.0e+00;
	v3 =	vld [tilespmem:s15+$0xFFFFFF90];
	v2 =	vadd.f32 v7, v2  }
0xa7: {  	[tilespmem:s3+$0xFFFFFF00] =	vst v5;
	v6 =	vld [tilespmem:s14+$0xFFFFFF90]  }
0xa8: {  	v5 =	vld [tilespmem:s15+$0xFFFFFF10];
	v4 =	vadd.f32 v4, v8;
	v2 =	vmax.f32 v2, $0.0e+00  }
0xa9: {  	v7 =	vld [tilespmem:s14+$0xFFFFFF10];
	[tilespmem:s3+$0x90] =	vst v2  }
0xaa: {  	v2 =	vmax.f32 v4, $0.0e+00;
	v4 =	vld [tilespmem:s15+$0xA0]  }
0xab: {  	[tilespmem:s3+$0x0] =	vst v2;
	v2 =	vld [tilespmem:s14+$0xA0]  }
0xac: {  	v8 =	vld [tilespmem:s15+$0x10];
	v3 =	vadd.f32 v6, v3  }
0xad: {  	v6 =	vld [tilespmem:s14+$0x10]  }
0xae: {  	v3 =	vmax.f32 v3, $0.0e+00  }
0xaf: {  	v5 =	vadd.f32 v7, v5;
	[tilespmem:s3+$0xFFFFFF90] =	vst v3  }
0xb0: {  	v3 =	vld [tilespmem:s15+$0xFFFFFFA0];
	v2 =	vadd.f32 v2, v4  }
0xb1: {  	v5 =	vmax.f32 v5, $0.0e+00;
	v4 =	vld [tilespmem:s14+$0xFFFFFFA0]  }
0xb2: {  	[tilespmem:s3+$0xFFFFFF10] =	vst v5;
	v5 =	vadd.f32 v6, v8;
	v2 =	vmax.f32 v2, $0.0e+00  }
0xb3: {  	[tilespmem:s3+$0xA0] =	vst v2  }
0xb4: {  	v2 =	vmax.f32 v5, $0.0e+00;
	v5 =	vld [tilespmem:s15+$0xB0]  }
0xb5: {  	[tilespmem:s3+$0x10] =	vst v2;
	v2 =	vld [tilespmem:s14+$0xB0]  }
0xb6: {  	v3 =	vadd.f32 v4, v3;
	v4 =	vld [tilespmem:s15+$0x20]  }
0xb7: {  	v8 =	vld [tilespmem:s14+$0x20]  }
0xb8: {  	v7 =	vld [tilespmem:s14+$0xFFFFFF20];
	v3 =	vmax.f32 v3, $0.0e+00  }
0xb9: {  	v6 =	vld [tilespmem:s15+$0xFFFFFF20];
	[tilespmem:s3+$0xFFFFFFA0] =	vst v3  }
0xba: {  	v3 =	vld [tilespmem:s15+$0xFFFFFFB0];
	v2 =	vadd.f32 v2, v5  }
0xbb: {  	v5 =	vld [tilespmem:s14+$0xFFFFFFB0]  }
0xbc: {  	v4 =	vadd.f32 v8, v4;
	v2 =	vmax.f32 v2, $0.0e+00  }
0xbd: {  	[tilespmem:s3+$0xB0] =	vst v2  }
0xbe: {  	v6 =	vadd.f32 v7, v6;
	v2 =	vmax.f32 v4, $0.0e+00;
	v4 =	vld [tilespmem:s15+$0xC0]  }
0xbf: {  	[tilespmem:s3+$0x20] =	vst v2;
	v2 =	vld [tilespmem:s14+$0xC0]  }
0xc0: {  	v6 =	vmax.f32 v6, $0.0e+00;
	v3 =	vadd.f32 v5, v3;
	v5 =	vld [tilespmem:s15+$0x30]  }
0xc1: {  	[tilespmem:s3+$0xFFFFFF20] =	vst v6;
	v8 =	vld [tilespmem:s14+$0x30]  }
0xc2: {  	v6 =	vld [tilespmem:s15+$0xFFFFFF30];
	v3 =	vmax.f32 v3, $0.0e+00  }
0xc3: {  	v7 =	vld [tilespmem:s14+$0xFFFFFF30];
	[tilespmem:s3+$0xFFFFFFB0] =	vst v3  }
0xc4: {  	v3 =	vld [tilespmem:s15+$0xFFFFFFC0];
	v2 =	vadd.f32 v2, v4  }
0xc5: {  	v4 =	vld [tilespmem:s14+$0xFFFFFFC0]  }
0xc6: {  	s12 =	sadd.s32 $0x200, s14;
	v5 =	vadd.f32 v8, v5;
	v2 =	vmax.f32 v2, $0.0e+00  }
0xc7: {  	v12 =	vld [tilespmem:s12+$0xFFFFFF00];
	[tilespmem:s3+$0xC0] =	vst v2  }
0xc8: {  	v2 =	vmax.f32 v5, $0.0e+00;
	v5 =	vld [tilespmem:s15+$0xD0]  }
0xc9: {  	v6 =	vadd.f32 v7, v6;
	[tilespmem:s3+$0x30] =	vst v2;
	v2 =	vld [tilespmem:s14+$0xD0]  }
0xca: {  	v3 =	vadd.f32 v4, v3;
	v4 =	vld [tilespmem:s15+$0x40]  }
0xcb: {  	s10 =	sadd.s32 $0x200, s15;
	v6 =	vmax.f32 v6, $0.0e+00;
	v8 =	vld [tilespmem:s14+$0x40]  }
0xcc: {  	v54 =	vld [tilespmem:s10+$0xFFFFFF00];
	[tilespmem:s3+$0xFFFFFF30] =	vst v6  }
0xcd: {  	v6 =	vld [tilespmem:s15+$0xFFFFFF40]  }
0xce: {  	v7 =	vld [tilespmem:s14+$0xFFFFFF40];
	v2 =	vadd.f32 v2, v5  }
0xcf: {  	v11 =	vld [tilespmem:s12+$0x80]  }
0xd0: {  	v13 =	vld [tilespmem:s12+$0xFFFFFF80];
	v4 =	vadd.f32 v8, v4;
	v2 =	vmax.f32 v2, $0.0e+00  }
0xd1: {  	v10 =	vld [tilespmem:s10+$0x80];
	v12 =	vadd.f32 v12, v54;
	[tilespmem:s3+$0xD0] =	vst v2  }
0xd2: {  	v2 =	vmax.f32 v4, $0.0e+00;
	v4 =	vld [tilespmem:s15+$0xE0]  }
0xd3: {  	s11 =	sadd.s32 $0x200, s3;
	v12 =	vmax.f32 v12, $0.0e+00;
	v6 =	vadd.f32 v7, v6;
	[tilespmem:s3+$0x40] =	vst v2;
	v2 =	vld [tilespmem:s14+$0xE0]  }
0xd4: {  	v14 =	vld [tilespmem:s10+$0x0];
	[tilespmem:s11+$0xFFFFFF00] =	vst v12;
	v3 =	vmax.f32 v3, $0.0e+00  }
0xd5: {  	v12 =	vld [tilespmem:s10+$0xFFFFFF10];
	[tilespmem:s3+$0xFFFFFFC0] =	vst v3;
	v6 =	vmax.f32 v6, $0.0e+00  }
0xd6: {  	v3 =	vld [tilespmem:s15+$0xFFFFFFD0];
	[tilespmem:s3+$0xFFFFFF40] =	vst v6  }
0xd7: {  	v6 =	vld [tilespmem:s15+$0xFFFFFF50]  }
0xd8: {  	v7 =	vld [tilespmem:s14+$0xFFFFFF50];
	v2 =	vadd.f32 v2, v4  }
0xd9: {  	v4 =	vld [tilespmem:s10+$0xFFFFFF80]  }
0xda: {  	v5 =	vld [tilespmem:s14+$0xFFFFFFD0];
	v2 =	vmax.f32 v2, $0.0e+00  }
0xdb: {  	v8 =	vld [tilespmem:s15+$0x50];
	[tilespmem:s3+$0xE0] =	vst v2;
	v2 =	vadd.f32 v11, v10  }
0xdc: {  	v9 =	vld [tilespmem:s14+$0x50]  }
0xdd: {  	v6 =	vadd.f32 v7, v6;
	v7 =	vld [tilespmem:s12+$0x0];
	v2 =	vmax.f32 v2, $0.0e+00  }
0xde: {  	v56 =	vld [tilespmem:s12+$0xFFFFFF10];
	v4 =	vadd.f32 v13, v4;
	[tilespmem:s11+$0x80] =	vst v2  }
0xdf: {  	v2 =	vmax.f32 v6, $0.0e+00;
	v6 =	vld [tilespmem:s10+$0x90]  }
0xe0: {  	v3 =	vadd.f32 v5, v3;
	[tilespmem:s3+$0xFFFFFF50] =	vst v2;
	v2 =	vmax.f32 v4, $0.0e+00;
	v4 =	vld [tilespmem:s12+$0x90]  }
0xe1: {  	v8 =	vadd.f32 v9, v8;
	v10 =	vld [tilespmem:s15+$0xF0]  }
0xe2: {  	v3 =	vmax.f32 v3, $0.0e+00;
	v7 =	vadd.f32 v7, v14;
	v11 =	vld [tilespmem:s14+$0xF0];
	[tilespmem:s11+$0xFFFFFF80] =	vst v2  }
0xe3: {  	[tilespmem:s3+$0xFFFFFFD0] =	vst v3;
	v8 =	vmax.f32 v8, $0.0e+00;
	v5 =	vld [tilespmem:s10+$0xFFFFFF90]  }
0xe4: {  	v3 =	vmax.f32 v7, $0.0e+00;
	[tilespmem:s3+$0x50] =	vst v8;
	v55 =	vld [tilespmem:s12+$0xFFFFFF90]  }
0xe5: {  	v8 =	vld [tilespmem:s14+$0xFFFFFFE0];
	[tilespmem:s11+$0x0] =	vst v3;
	v3 =	vadd.f32 v4, v6  }
0xe6: {  	v59 =	vld [tilespmem:s15+$0x60]  }
0xe7: {  	v60 =	vld [tilespmem:s14+$0x60];
	v3 =	vmax.f32 v3, $0.0e+00  }
0xe8: {  	v2 =	vld [tilespmem:s15+$0xFFFFFF60];
	[tilespmem:s11+$0x90] =	vst v3  }
0xe9: {  	v5 =	vadd.f32 v55, v5;
	v3 =	vld [tilespmem:s10+$0xA0]  }
0xea: {  	v57 =	vld [tilespmem:s12+$0xA0]  }
0xeb: {  	v6 =	vld [tilespmem:s10+$0x10];
	v5 =	vmax.f32 v5, $0.0e+00  }
0xec: {  	[tilespmem:s11+$0xFFFFFF90] =	vst v5;
	v5 =	vld [tilespmem:s12+$0x10]  }
0xed: {  	v12 =	vadd.f32 v56, v12;
	v9 =	vld [tilespmem:s10+$0xFFFFFFA0]  }
0xee: {  	v58 =	vld [tilespmem:s12+$0xFFFFFFA0]  }
0xef: {  	v12 =	vmax.f32 v12, $0.0e+00;
	v7 =	vld [tilespmem:s14+$0xFFFFFF60];
	v3 =	vadd.f32 v57, v3  }
0xf0: {  	[tilespmem:s11+$0xFFFFFF10] =	vst v12;
	v4 =	vld [tilespmem:s15+$0xFFFFFFE0]  }
0xf1: {  	v5 =	vadd.f32 v5, v6;
	v6 =	vld [tilespmem:s10+$0xFFFFFF20];
	v3 =	vmax.f32 v3, $0.0e+00  }
0xf2: {  	[tilespmem:s11+$0xA0] =	vst v3;
	v3 =	vld [tilespmem:s12+$0xFFFFFF20]  }
0xf3: {  	v9 =	vadd.f32 v58, v9;
	v5 =	vmax.f32 v5, $0.0e+00;
	v61 =	vld [tilespmem:s10+$0xB0]  }
0xf4: {  	v2 =	vadd.f32 v7, v2;
	[tilespmem:s11+$0x10] =	vst v5;
	v5 =	vld [tilespmem:s12+$0xB0]  }
0xf5: {  	v7 =	vmax.f32 v9, $0.0e+00;
	v9 =	vld [tilespmem:s10+$0x20]  }
0xf6: {  	v2 =	vmax.f32 v2, $0.0e+00;
	[tilespmem:s11+$0xFFFFFFA0] =	vst v7;
	v7 =	vld [tilespmem:s12+$0x20]  }
0xf7: {  	[tilespmem:s3+$0xFFFFFF60] =	vst v2;
	v2 =	vld [tilespmem:s12+$0xFFFFFFB0];
	v3 =	vadd.f32 v3, v6  }
0xf8: {  	v6 =	vld [tilespmem:s10+$0xFFFFFFB0]  }
0xf9: {  	v62 =	vld [tilespmem:s15+$0xFFFFFF70];
	v5 =	vadd.f32 v5, v61;
	v3 =	vmax.f32 v3, $0.0e+00  }
0xfa: {  	[tilespmem:s11+$0xFFFFFF20] =	vst v3;
	v3 =	vld [tilespmem:s14+$0xFFFFFF70]  }
0xfb: {  	v7 =	vadd.f32 v7, v9;
	v5 =	vmax.f32 v5, $0.0e+00;
	v9 =	vld [tilespmem:s10+$0xFFFFFF30]  }
0xfc: {  	[tilespmem:s11+$0xB0] =	vst v5;
	v5 =	vld [tilespmem:s12+$0xFFFFFF30]  }
0xfd: {  	v2 =	vadd.f32 v2, v6;
	v6 =	vmax.f32 v7, $0.0e+00;
	v7 =	vld [tilespmem:s10+$0xC0]  }
0xfe: {  	[tilespmem:s11+$0x20] =	vst v6;
	v6 =	vld [tilespmem:s12+$0xC0]  }
0xff: {  	v4 =	vadd.f32 v8, v4;
	v2 =	vmax.f32 v2, $0.0e+00;
	v8 =	vld [tilespmem:s10+$0x30]  }
0x100: {  	[tilespmem:s11+$0xFFFFFFB0] =	vst v2;
	v2 =	vld [tilespmem:s12+$0x30]  }
0x101: {  	v4 =	vmax.f32 v4, $0.0e+00;
	v5 =	vadd.f32 v5, v9;
	v9 =	vld [tilespmem:s10+$0xFFFFFFC0]  }
0x102: {  	[tilespmem:s3+$0xFFFFFFE0] =	vst v4;
	v4 =	vld [tilespmem:s12+$0xFFFFFFC0]  }
0x103: {  	v5 =	vmax.f32 v5, $0.0e+00;
	v6 =	vadd.f32 v6, v7;
	v7 =	vld [tilespmem:s15+$0xFFFFFFF0]  }
0x104: {  	[tilespmem:s11+$0xFFFFFF30] =	vst v5;
	v5 =	vld [tilespmem:s14+$0xFFFFFFF0]  }
0x105: {  	v2 =	vadd.f32 v2, v8;
	v8 =	vld [tilespmem:s10+$0xFFFFFF40];
	v6 =	vmax.f32 v6, $0.0e+00  }
0x106: {  	[tilespmem:s11+$0xC0] =	vst v6;
	v6 =	vld [tilespmem:s12+$0xFFFFFF40]  }
0x107: {  	v4 =	vadd.f32 v4, v9;
	v2 =	vmax.f32 v2, $0.0e+00;
	v9 =	vld [tilespmem:s10+$0xD0]  }
0x108: {  	[tilespmem:s11+$0x30] =	vst v2;
	v2 =	vld [tilespmem:s12+$0xD0]  }
0x109: {  	v12 =	vadd.f32 v60, v59;
	v4 =	vmax.f32 v4, $0.0e+00;
	v63 =	vld [tilespmem:s10+$0x40]  }
0x10a: {  	[tilespmem:s11+$0xFFFFFFC0] =	vst v4;
	v4 =	vld [tilespmem:s12+$0x40]  }
0x10b: {  	v10 =	vadd.f32 v11, v10;
	v12 =	vmax.f32 v12, $0.0e+00;
	v11 =	vld [tilespmem:s12+$0xFFFFFFD0];
	v6 =	vadd.f32 v6, v8  }
0x10c: {  	[tilespmem:s3+$0x60] =	vst v12;
	v8 =	vld [tilespmem:s10+$0xFFFFFFD0]  }
0x10d: {  	v12 =	vld [tilespmem:s14+$0x70];
	v6 =	vmax.f32 v6, $0.0e+00;
	v2 =	vadd.f32 v2, v9  }
0x10e: {  	v10 =	vmax.f32 v10, $0.0e+00;
	v3 =	vadd.f32 v3, v62;
	v9 =	vld [tilespmem:s15+$0x70];
	[tilespmem:s11+$0xFFFFFF40] =	vst v6  }
0x10f: {  	[tilespmem:s3+$0xF0] =	vst v10;
	v10 =	vadd.f32 v4, v63;
	v4 =	vld [tilespmem:s10+$0xFFFFFF50];
	v2 =	vmax.f32 v2, $0.0e+00  }
0x110: {  	v3 =	vmax.f32 v3, $0.0e+00;
	v5 =	vadd.f32 v5, v7;
	v6 =	vld [tilespmem:s12+$0xFFFFFF50];
	[tilespmem:s11+$0xD0] =	vst v2  }
0x111: {  	[tilespmem:s3+$0xFFFFFF70] =	vst v3;
	v2 =	vadd.f32 v11, v8;
	v7 =	vmax.f32 v10, $0.0e+00;
	v3 =	vld [tilespmem:s10+$0xE0]  }
0x112: {  	v8 =	vmax.f32 v5, $0.0e+00;
	[tilespmem:s11+$0x40] =	vst v7;
	v5 =	vld [tilespmem:s12+$0xE0]  }
0x113: {  	s13 =	sor.u32 $0xC500, s13;
	[tilespmem:s3+$0xFFFFFFF0] =	vst v8;
	v8 =	vmax.f32 v2, $0.0e+00;
	v7 =	vld [tilespmem:s10+$0x50];
	v2 =	vadd.f32 v12, v9  }
0x114: {  	s16 =	sadd.s32 $0x200, s10;
	s14 =	smov.u32 s12;
	s15 =	simm.s32 $0x4;
	[tilespmem:s11+$0xFFFFFFD0] =	vst v8;
	v8 =	vld [tilespmem:s12+$0x50]  }
.LBB2_14:
0x115: {  	v9 =	vld [tilespmem:s16+$0x80];
	v4 =	vadd.f32 v6, v4;
	s12 =	sadd.s32 $0x200, s12;
	v2 =	vmax.f32 v2, $0.0e+00  }
0x116: {  	v6 =	vld [tilespmem:s12+$0x80];
	[tilespmem:s3+$0x70] =	vst v2;
	s3 =	smov.u32 s11  }
0x117: {  	v2 =	vld [tilespmem:s12+$0xFFFFFF00];
	v4 =	vmax.f32 v4, $0.0e+00;
	v3 =	vadd.f32 v5, v3  }
0x118: {  	v5 =	vld [tilespmem:s16+$0xFFFFFF80];
	[tilespmem:s11+$0xFFFFFF50] =	vst v4  }
0x119: {  	v4 =	vld [tilespmem:s12+$0xFFFFFF80];
	v7 =	vadd.f32 v8, v7;
	v3 =	vmax.f32 v3, $0.0e+00  }
0x11a: {  	v8 =	vld [tilespmem:s16+$0x0];
	[tilespmem:s11+$0xE0] =	vst v3  }
0x11b: {  	v3 =	vadd.f32 v6, v9;
	v6 =	vmax.f32 v7, $0.0e+00;
	v7 =	vld [tilespmem:s10+$0xF0]  }
0x11c: {  	[tilespmem:s11+$0x50] =	vst v6;
	v6 =	vld [tilespmem:s14+$0xF0]  }
0x11d: {  	s15 =	sadd.s32 $0x4, s15;
	s11 =	sadd.s32 $0x200, s11;
	v9 =	vld [tilespmem:s12+$0x0];
	v3 =	vmax.f32 v3, $0.0e+00  }
0x11e: {  	p1 =	slt.u32 s15, $0x3C;
	v10 =	vld [tilespmem:s16+$0xFFFFFF00];
	v4 =	vadd.f32 v4, v5;
	[tilespmem:s11+$0x80] =	vst v3  }
0x11f: {  	v3 =	vld [tilespmem:s16+$0x90]  }
0x120: {  	v4 =	vmax.f32 v4, $0.0e+00;
	v5 =	vld [tilespmem:s12+$0x90]  }
0x121: {  	[tilespmem:s11+$0xFFFFFF80] =	vst v4;
	v4 =	vld [tilespmem:s10+$0xFFFFFF60];
	v6 =	vadd.f32 v6, v7  }
0x122: {  	v7 =	vld [tilespmem:s16+$0xFFFFFF90];
	v8 =	vadd.f32 v9, v8  }
0x123: {  	v2 =	vadd.f32 v2, v10;
	v9 =	vld [tilespmem:s12+$0xFFFFFF90];
	v6 =	vmax.f32 v6, $0.0e+00  }
0x124: {  	v8 =	vmax.f32 v8, $0.0e+00;
	v10 =	vld [tilespmem:s14+$0xFFFFFF60];
	[tilespmem:s3+$0xF0] =	vst v6  }
0x125: {  	v2 =	vmax.f32 v2, $0.0e+00;
	[tilespmem:s11+$0x0] =	vst v8;
	v3 =	vadd.f32 v5, v3;
	v5 =	vld [tilespmem:s10+$0xFFFFFFE0]  }
0x126: {  	[tilespmem:s11+$0xFFFFFF00] =	vst v2;
	v2 =	vld [tilespmem:s16+$0x10]  }
0x127: {  	v6 =	vld [tilespmem:s16+$0xFFFFFF10];
	v3 =	vmax.f32 v3, $0.0e+00  }
0x128: {  	v8 =	vld [tilespmem:s12+$0xFFFFFF10];
	v7 =	vadd.f32 v9, v7;
	[tilespmem:s11+$0x90] =	vst v3  }
0x129: {  	v3 =	vld [tilespmem:s16+$0xA0];
	v4 =	vadd.f32 v10, v4  }
0x12a: {  	v7 =	vmax.f32 v7, $0.0e+00;
	v9 =	vld [tilespmem:s12+$0xA0]  }
0x12b: {  	[tilespmem:s11+$0xFFFFFF90] =	vst v7;
	v7 =	vld [tilespmem:s12+$0x10];
	v4 =	vmax.f32 v4, $0.0e+00  }
0x12c: {  	v10 =	vld [tilespmem:s16+$0xFFFFFFA0];
	[tilespmem:s3+$0xFFFFFF60] =	vst v4  }
0x12d: {  	v4 =	vadd.f32 v8, v6;
	v6 =	vld [tilespmem:s12+$0xFFFFFFA0]  }
0x12e: {  	v8 =	vld [tilespmem:s14+$0xFFFFFFE0]  }
0x12f: {  	v4 =	vmax.f32 v4, $0.0e+00;
	v3 =	vadd.f32 v9, v3;
	v9 =	vld [tilespmem:s10+$0x60]  }
0x130: {  	[tilespmem:s11+$0xFFFFFF10] =	vst v4;
	v2 =	vadd.f32 v7, v2;
	v4 =	vld [tilespmem:s14+$0x60]  }
0x131: {  	v7 =	vld [tilespmem:s16+$0xFFFFFF20];
	v3 =	vmax.f32 v3, $0.0e+00  }
0x132: {  	v11 =	vld [tilespmem:s12+$0xFFFFFF20];
	v6 =	vadd.f32 v6, v10;
	v2 =	vmax.f32 v2, $0.0e+00;
	[tilespmem:s11+$0xA0] =	vst v3  }
0x133: {  	[tilespmem:s11+$0x10] =	vst v2;
	v2 =	vld [tilespmem:s16+$0xB0];
	v3 =	vadd.f32 v8, v5  }
0x134: {  	v5 =	vmax.f32 v6, $0.0e+00;
	v6 =	vld [tilespmem:s12+$0xB0]  }
0x135: {  	[tilespmem:s11+$0xFFFFFFA0] =	vst v5;
	v5 =	vld [tilespmem:s16+$0x20];
	v3 =	vmax.f32 v3, $0.0e+00;
	v4 =	vadd.f32 v4, v9  }
0x136: {  	v8 =	vld [tilespmem:s12+$0x20];
	[tilespmem:s3+$0xFFFFFFE0] =	vst v3  }
0x137: {  	v3 =	vadd.f32 v11, v7;
	v7 =	vld [tilespmem:s16+$0xFFFFFFB0];
	v4 =	vmax.f32 v4, $0.0e+00  }
0x138: {  	v9 =	vld [tilespmem:s12+$0xFFFFFFB0];
	[tilespmem:s3+$0x60] =	vst v4  }
0x139: {  	v3 =	vmax.f32 v3, $0.0e+00;
	v2 =	vadd.f32 v6, v2;
	v4 =	vld [tilespmem:s10+$0xFFFFFF70]  }
0x13a: {  	[tilespmem:s11+$0xFFFFFF20] =	vst v3;
	v3 =	vld [tilespmem:s14+$0xFFFFFF70]  }
0x13b: {  	v6 =	vld [tilespmem:s16+$0xFFFFFF30];
	v5 =	vadd.f32 v8, v5;
	v2 =	vmax.f32 v2, $0.0e+00  }
0x13c: {  	v8 =	vld [tilespmem:s12+$0xFFFFFF30];
	[tilespmem:s11+$0xB0] =	vst v2  }
0x13d: {  	v2 =	vadd.f32 v9, v7;
	v5 =	vmax.f32 v5, $0.0e+00;
	v7 =	vld [tilespmem:s16+$0xC0]  }
0x13e: {  	[tilespmem:s11+$0x20] =	vst v5;
	v5 =	vld [tilespmem:s12+$0xC0]  }
0x13f: {  	v2 =	vmax.f32 v2, $0.0e+00;
	v9 =	vld [tilespmem:s16+$0x30];
	v3 =	vadd.f32 v3, v4  }
0x140: {  	[tilespmem:s11+$0xFFFFFFB0] =	vst v2;
	v2 =	vld [tilespmem:s12+$0x30]  }
0x141: {  	v4 =	vadd.f32 v8, v6;
	v6 =	vld [tilespmem:s16+$0xFFFFFFC0];
	v3 =	vmax.f32 v3, $0.0e+00  }
0x142: {  	v8 =	vld [tilespmem:s12+$0xFFFFFFC0];
	[tilespmem:s3+$0xFFFFFF70] =	vst v3  }
0x143: {  	v3 =	vmax.f32 v4, $0.0e+00;
	v4 =	vadd.f32 v5, v7;
	v5 =	vld [tilespmem:s10+$0xFFFFFFF0]  }
0x144: {  	[tilespmem:s11+$0xFFFFFF30] =	vst v3;
	v3 =	vld [tilespmem:s14+$0xFFFFFFF0]  }
0x145: {  	v7 =	vld [tilespmem:s16+$0xFFFFFF40];
	v2 =	vadd.f32 v2, v9;
	v4 =	vmax.f32 v4, $0.0e+00  }
0x146: {  	v9 =	vld [tilespmem:s12+$0xFFFFFF40];
	[tilespmem:s11+$0xC0] =	vst v4  }
0x147: {  	v4 =	vadd.f32 v8, v6;
	v2 =	vmax.f32 v2, $0.0e+00;
	v6 =	vld [tilespmem:s16+$0xD0]  }
0x148: {  	[tilespmem:s11+$0x30] =	vst v2;
	v2 =	vld [tilespmem:s12+$0xD0]  }
0x149: {  	v4 =	vmax.f32 v4, $0.0e+00;
	v8 =	vld [tilespmem:s16+$0x40];
	v3 =	vadd.f32 v3, v5  }
0x14a: {  	[tilespmem:s11+$0xFFFFFFC0] =	vst v4;
	v5 =	vld [tilespmem:s12+$0x40]  }
0x14b: {  	v4 =	vadd.f32 v9, v7;
	v7 =	vld [tilespmem:s16+$0xFFFFFFD0];
	v3 =	vmax.f32 v3, $0.0e+00  }
0x14c: {  	v9 =	vld [tilespmem:s12+$0xFFFFFFD0];
	[tilespmem:s3+$0xFFFFFFF0] =	vst v3  }
0x14d: {  	v3 =	vmax.f32 v4, $0.0e+00;
	v2 =	vadd.f32 v2, v6;
	v10 =	vld [tilespmem:s10+$0x70];
	s10 =	smov.u32 s16  }
0x14e: {  	[tilespmem:s11+$0xFFFFFF40] =	vst v3;
	v11 =	vld [tilespmem:s14+$0x70];
	s14 =	smov.u32 s12  }
0x14f: {  	v4 =	vld [tilespmem:s16+$0xFFFFFF50];
	v3 =	vadd.f32 v5, v8;
	v2 =	vmax.f32 v2, $0.0e+00  }
.Ltmp8:
0x150: {  	v6 =	vld [tilespmem:s12+$0xFFFFFF50];
	[tilespmem:s11+$0xD0] =	vst v2;
	(pc) =	sbr.rel @p1 .LBB2_14-.Ltmp8, $4  }
0x151: {  	v2 =	vadd.f32 v9, v7;
	v5 =	vmax.f32 v3, $0.0e+00;
	v3 =	vld [tilespmem:s16+$0xE0]  }
0x152: {  	[tilespmem:s11+$0x40] =	vst v5;
	v5 =	vld [tilespmem:s12+$0xE0]  }
0x153: {  	v8 =	vmax.f32 v2, $0.0e+00;
	v7 =	vld [tilespmem:s16+$0x50];
	v2 =	vadd.f32 v11, v10  }
0x154: {  	s16 =	sadd.s32 $0x200, s16;
	[tilespmem:s11+$0xFFFFFFD0] =	vst v8;
	v8 =	vld [tilespmem:s12+$0x50]  }
0x155: {  	_ =	sdelay $0x1  }
0x156: {  	v4 =	vadd.f32 v6, v4;
	_ =	sdelay $0x1  }
0x157: {  	v55 =	vld [tilespmem:s10+$0xFFFFFFE0];
	v4 =	vmax.f32 v4, $0.0e+00;
	v52 =	vadd.f32 v8, v7  }
0x158: {  	v56 =	vld [tilespmem:s14+$0xFFFFFFE0];
	[tilespmem:s11+$0xFFFFFF50] =	vst v4  }
0x159: {  	v53 =	vld [tilespmem:s10+$0xFFFFFF60];
	v4 =	vmax.f32 v52, $0.0e+00  }
0x15a: {  	v54 =	vld [tilespmem:s14+$0xFFFFFF60];
	[tilespmem:s11+$0x50] =	vst v4  }
0x15b: {  	v3 =	vadd.f32 v5, v3;
	v57 =	vld [tilespmem:s10+$0x60]  }
0x15c: {  	v9 =	vld [tilespmem:s14+$0x60]  }
0x15d: {  	v3 =	vmax.f32 v3, $0.0e+00;
	v4 =	vadd.f32 v56, v55  }
0x15e: {  	[tilespmem:s11+$0xE0] =	vst v3  }
0x15f: {  	v3 =	vld [tilespmem:s10+$0xF0];
	v6 =	vadd.f32 v54, v53;
	v4 =	vmax.f32 v4, $0.0e+00  }
0x160: {  	v58 =	vld [tilespmem:s14+$0xF0];
	[tilespmem:s11+$0xFFFFFFE0] =	vst v4  }
0x161: {  	v6 =	vmax.f32 v6, $0.0e+00;
	v60 =	vld [tilespmem:s10+$0xFFFFFFF0];
	v5 =	vadd.f32 v9, v57  }
0x162: {  	v61 =	vld [tilespmem:s14+$0xFFFFFFF0];
	[tilespmem:s11+$0xFFFFFF60] =	vst v6  }
0x163: {  	v6 =	vld [tilespmem:s10+$0xFFFFFF70];
	v5 =	vmax.f32 v5, $0.0e+00  }
0x164: {  	v59 =	vld [tilespmem:s14+$0xFFFFFF70];
	[tilespmem:s11+$0x60] =	vst v5  }
0x165: {  	v62 =	vld [tilespmem:s10+$0x70]  }
0x166: {  	v10 =	vld [tilespmem:s14+$0x70];
	_ =	sdelay $0x1  }
0x167: {  	v3 =	vadd.f32 v58, v3  }
0x168: {  	v2 =	vmax.f32 v2, $0.0e+00;
	v4 =	vadd.f32 v59, v6  }
0x169: {  	[tilespmem:s3+$0x70] =	vst v2;
	v2 =	vmax.f32 v3, $0.0e+00;
	v3 =	vadd.f32 v61, v60  }
0x16a: {  	[tilespmem:s11+$0xF0] =	vst v2;
	v2 =	vmax.f32 v4, $0.0e+00;
	v63 =	vadd.f32 v10, v62  }
.Ltmp9:
0x16b: {  	[tilespmem:s11+$0xFFFFFF70] =	vst v2;
	v2 =	vmax.f32 v3, $0.0e+00;
	(pc) =	sbr.rel .LBB2_16-.Ltmp9, $4  }
0x16c: {  	[tilespmem:s11+$0xFFFFFFF0] =	vst v2;
	v2 =	vmax.f32 v63, $0.0e+00  }
0x16d: {  	s31 =	sadd.s32 $0xF, s31;
	[tilespmem:s11+$0x70] =	vst v2  }
0x16e: {  	[spmem:s2] =	stream.indirect.scatter.add.f32 [tilespmem:s13], [sflag:s31], $0x80, s0, s26, $0xb8;
	[tilespmem:$0x1E800] =	vst v63  }
0x16f: {  	s0 =	sadd.s32 $0x1, s30  }
.LBB2_8:
0x170: {  	s0 =	sadd.s32 $0x1, s30  }
0x171: {  	s3 =	sshll.u32 s0, $0x6  }
0x172: {  	p1 =	slt.u32 s30, $0x2;
	s3 =	sadd.s32 s8, s3  }
.Ltmp10:
0x173: {  	s10 =	sand.u32 $0x3, s0;
	s3 =	sshrl.u32 s3, $0x3;
	(pc) =	sbr.rel @p1 .LBB2_16-.Ltmp10, $4  }
0x174: {  	s11 =	sshll.u32 s10, $0x7;
	s12 =	sadd.s32 $0x7, s10;
	s13 =	sadd.s32 s1, s3  }
0x175: {  	[tilespmem:s11], [sflag:s12] =	stream.linear.gather [hbm4b:s13+s4], $0x40, $0x38;
	[tilespmem:$0x1E800] =	vst v63  }
0x176: {  	s10 =	sadd.s32 $0xB, s10;
	s3 =	sadd.s32 s7, s3;
	s11 =	sor.u32 $0x200, s11  }
0x177: {  	[tilespmem:s11], [sflag:s10] =	stream.linear.gather [hbm4b:s3+s4], $0x40, $0x38;
	[tilespmem:$0x1E800] =	vst v63  }
0x178: {  	s0 =	sadd.s32 $0xFFFFFFFE, s30  }
0x179: {  	s3 =	smul.u32 $0xAAAB, s0;
	_ =	sdelay $0x1  }
0x17a: {  	s3 =	sshrl.u32 s3, $0x11  }
0x17b: {  	p1 =	slt.u32 s30, $0x4;
	s3 =	smul.u32 $0x3, s3  }
.Ltmp11:
0x17c: {  	_ = 	snop;
	(pc) =	sbr.rel @p1 .LBB2_11-.Ltmp11, $4  }
.Ltmp12:
0x17d: {  	_ = 	snop;
	(pc) =	sbr.rel @!p1 .LBB2_10-.Ltmp12, $4  }
0x17e: {  	_ = 	snop  }
0x17f: {  	s3 =	ssub.s32 s0, s3  }
0x180: {  	s31 =	sand.u32 $0x1, s30;
	s0 =	sand.u32 $0x3, s0;
	s3 =	sand.u32 $0xFFFF, s3  }
0x181: {  	_ = 	snop  }
.LBB2_18:
0x182: {  	_ =	sfence.sel $0x180000  }
0x183: {  	[bflag:$0x0] =	sbarrier.arrive $0xFFFF  }
0x184: {  	_ =	strace $0x90000047  }
0x185: {  	s0 =	stileid.u32;
	[bflag:$0x2] =	sbarrier.arrive $0xFFFF  }
0x186: {  	p0 =	sne.s32 s0, $0x0;
	s0 =	rddreg [dreg:$0x3]  }
0x187: {  	s0 =	sadd.s32 @!p0 $0x100000, s0  }
0x188: {  	[sflag:s0] =	ssyncadd.tile.s32 @!p0 $0x1;
	_ =	shalt  }
.Lfunc_end2:
_tile_overlayer_lowered:
.L_overlay_start_2:
0x189: {  	(tag) =	ssettag $0x2  }
0x18a: {  	s0 =	rddreg [dreg:$0x0];
	s2 =	stileid.u32  }
0x18b: {  	s1 =	rddreg [dreg:$0x1];
	p0 =	sne.s32 s2, $0x0  }
0x18c: {  	s3 =	rddreg [dreg:$0x2];
	[bflag:$0x3] =	sbarrier.arrive $0xFFFF;
	s2 =	simm.s32 @!p0 $0x1C11  }
0x18d: {  	[timem:s3], [sflag:s2] =	dma.local @!p0 [hbm:s0], s1  }
0x18e: {  	s0 =	simm.s32 @!p0 $0x11  }
0x18f: {  	_ =	swait.ge @!p0 [sflag:s0], s1  }
0x190: {  	s1 =	ssub.s32 @!p0 $0x0, s1;
	[sflag:s0] =	ssyncset.done @!p0 $0x0  }
0x191: {  	[sflag:s0] =	ssyncadd.s32 @!p0 s1  }
0x192: {  	[bflag:$0x3] =	sbarrier.arrive $0xFFFF  }
0x193: {  	_ =	shalt  }

</sc_bundles>
